<compile_context>
chip_gen: v7x
topology: tpu7x:2x2x1
jax: 0.10.2.dev20260603
libtpu: 0.0.44.dev20260713+nightly
codegen_flags: <defaults>
</compile_context>

<pallas_src>
import functools

import jax
import jax.numpy as jnp
from jax import lax
from jax.experimental import pallas as pl
from jax.experimental.pallas import tpu as pltpu
from jax.experimental.pallas import tpu_sc as plsc

B = 16384
L = 48
V = 128
D = 64
PW = D // 2
NC = 2
NS = 16
NW = NC * NS
RPW = B // NW

_MESH = plsc.VectorSubcoreMesh(
    core_axis_name="c", subcore_axis_name="s", num_cores=NC, num_subcores=NS
)


@functools.partial(
    pl.kernel,
    out_type=jax.ShapeDtypeStruct((B * D,), jnp.float32),
    mesh=_MESH,
    compiler_params=pltpu.CompilerParams(needs_layout_passes=False),
    scratch_types=[
        pltpu.VMEM((V * PW,), jnp.int32),
        pltpu.VMEM((RPW * L,), jnp.int32),
        pltpu.VMEM((RPW * D,), jnp.float32),
    ],
)
def _encode(tokens_hbm, table_hbm, out_hbm, table_v, tok_v, out_v):
    wid = lax.axis_index("s") * NC + lax.axis_index("c")
    base = wid * RPW

    pltpu.sync_copy(table_hbm, table_v)
    pltpu.sync_copy(tokens_hbm.at[pl.ds(base * L, RPW * L)], tok_v)

    izeros = jnp.zeros((16,), jnp.int32)
    for j in range(PW // 16):
        table_v[pl.ds(16 * j, 16)] = izeros

    lane_iota = lax.iota(jnp.int32, 16)
    cols = [lane_iota + 16 * j for j in range(PW // 16)]
    splat_idx = [jnp.full((16, 1), i, jnp.int32) for i in range(16)]
    dnums = lax.GatherDimensionNumbers(
        offset_dims=(), collapsed_slice_dims=(0,), start_index_map=(0,)
    )

    def lane_perm(v, idx):
        return lax.gather(
            v,
            idx,
            dimension_numbers=dnums,
            slice_sizes=(1,),
            mode=lax.GatherScatterMode.PROMISE_IN_BOUNDS,
        )

    xor_idx = [(lane_iota ^ s).reshape(16, 1) for s in (8, 4, 2, 1)]

    def lane_reduce_sum(v):
        for idx in xor_idx:
            v = v + lane_perm(v, idx)
        return v

    ione = jnp.full((16,), 1, jnp.int32)
    himask = jnp.full((16,), -65536, jnp.int32)
    bzeros = plsc.bitcast(izeros, jnp.bfloat16)

    def row_body(r, carry):
        tvs = [tok_v[pl.ds(r * L + 16 * k, 16)] for k in range(L // 16)]
        nz_vec = izeros
        for tv in tvs:
            nz_vec = nz_vec + jnp.where(tv != 0, ione, izeros)
        cnt = jnp.maximum(lane_reduce_sum(nz_vec), ione)
        rcp = 1.0 / cnt.astype(jnp.float32)

        group_accs = []
        for tv in tvs:
            tvp = tv * PW
            accs = [bzeros, bzeros]
            for i in range(16):
                sp = lane_perm(tvp, splat_idx[i])
                for j in range(PW // 16):
                    g = plsc.load_gather(table_v, [sp + cols[j]])
                    accs[j] = accs[j] + plsc.bitcast(g, jnp.bfloat16)
            group_accs.append(accs)
        for j in range(PW // 16):
            tot = (group_accs[0][j] + group_accs[1][j]) + group_accs[2][j]
            ti = plsc.bitcast(tot, jnp.int32)
            lo = plsc.bitcast(lax.shift_left(ti, 16), jnp.float32)
            hi = plsc.bitcast(ti & himask, jnp.float32)
            out_v[pl.ds(r * D + 32 * j, 16)] = lo * rcp
            out_v[pl.ds(r * D + 32 * j + 16, 16)] = hi * rcp
        return carry

    lax.fori_loop(0, RPW, row_body, 0)
    pltpu.sync_copy(out_v, out_hbm.at[pl.ds(base * D, RPW * D)])


def _pack_table(table):
    tb = table.astype(jnp.bfloat16)
    u = lax.bitcast_convert_type(tb, jnp.uint16).reshape(V, 2, 2, 16)
    lo = u[:, :, 0, :].astype(jnp.uint32)
    hi = u[:, :, 1, :].astype(jnp.uint32)
    packed = (hi << 16) | lo
    return lax.bitcast_convert_type(packed, jnp.int32).reshape(V * PW)


def kernel(tokens, table):
    out = _encode(tokens.reshape(B * L), _pack_table(table))
    return out.reshape(B, D)

# --- scband reference (transcript-rebuilt; emitter-appended) ---
"""Pipeline reference for scband-text-encoder-83107617177866 (READ-ONLY COPY).

The authoritative reference and input builder live on the scoring server;
editing this copy changes nothing except your own understanding.
"""

import jax, jax.numpy as jnp
import numpy as np


def setup_inputs(seed: int = 0) -> dict:
    key = jax.random.key(seed)
    k1, k2 = jax.random.split(key)
    tokens = jax.random.randint(k1, (16384, 48), 0, 128)
    table = jax.random.normal(k2, (128, 64), dtype=jnp.float32)
    return {"tokens": tokens, "table": table}


def reference(tokens, table):
    # mask = tokens != 0 (padding char is 0)
    mask = tokens != 0
    # embedding lookup: table[tokens] -> [B, L, d_model]
    embeds = jnp.take(table, tokens, axis=0)
    # denom = mask.sum(dim=1, keepdim=True).clamp_min(1)
    denom = jnp.clip(jnp.sum(mask, axis=1, keepdims=True), 1, None).astype(jnp.float32)
    # masked mean pooling over character positions
    out = jnp.sum(embeds * mask[..., None].astype(jnp.float32), axis=1) / denom
    return out

if __name__ == "__main__":
    import jax
    _d = setup_inputs()
    print(jax.jit(kernel)(*tuple(_d.values())))

</pallas_src>

<mosaic_0001>
#map = affine_map<(d0, d1) -> (0)>
module attributes {stable_mosaic.version = 14 : i64} {
  func.func @_encode(%arg0: i32, %arg1: i32, %arg2: memref<786432xi32, #tpu.memory_space<hbm>>, %arg3: memref<4096xi32, #tpu.memory_space<hbm>>, %arg4: memref<1048576xf32, #tpu.memory_space<hbm>>, %arg5: memref<4096xi32, #tpu.memory_space<vmem>>, %arg6: memref<24576xi32, #tpu.memory_space<vmem>>, %arg7: memref<32768xf32, #tpu.memory_space<vmem>>) attributes {dimension_semantics = [#tpu.dimension_semantics<core_parallel>, #tpu.dimension_semantics<subcore_parallel>], iteration_bounds = array<i64: 2, 16>, scalar_prefetch = 0 : i64, scratch_operands = 3 : i64, tpu.core_type = #tpu.core_type<sc_vector_subcore>, window_params = [{transform_indices = #map}, {transform_indices = #map}, {transform_indices = #map}]} {
    %mul3A = arith.constant 2 : i32
    %mul3A_0 = arith.muli %arg1, %mul3A : i32
    %add3A = arith.addi %mul3A_0, %arg0 : i32
    %mul3A_1 = arith.constant 512 : i32
    %mul3A_2 = arith.muli %add3A, %mul3A_1 : i32
    "tpu.region"() ({
      %run_scoped3A = tpu.sem_alloc : memref<!tpu.dma_semaphore, #tpu.memory_space<semaphore_mem>>
      tpu.enqueue_dma source(%arg3 : memref<4096xi32, #tpu.memory_space<hbm>>) target(%arg5 : memref<4096xi32, #tpu.memory_space<vmem>>) target_semaphore(%run_scoped3A : memref<!tpu.dma_semaphore, #tpu.memory_space<semaphore_mem>>)
      tpu.wait_dma2 semaphore(%run_scoped3A : memref<!tpu.dma_semaphore, #tpu.memory_space<semaphore_mem>>) src(%arg3 : memref<4096xi32, #tpu.memory_space<hbm>>) dst(%arg5 : memref<4096xi32, #tpu.memory_space<vmem>>)
      tpu.yield
    }) : () -> ()
    %mul3A_3 = arith.constant 48 : i32
    %mul3A_4 = arith.muli %mul3A_2, %mul3A_3 : i32
    "tpu.region"() ({
      %run_scoped3A = tpu.sem_alloc : memref<!tpu.dma_semaphore, #tpu.memory_space<semaphore_mem>>
      %dma_start3A = tpu.memref_slice %arg2[%mul3A_4] : memref<786432xi32, #tpu.memory_space<hbm>> -> memref<24576xi32, #tpu.memory_space<hbm>>
      %dma_start3A_72 = tpu.memref_slice %arg2[%mul3A_4] : memref<786432xi32, #tpu.memory_space<hbm>> -> memref<24576xi32, #tpu.memory_space<hbm>>
      tpu.enqueue_dma source(%dma_start3A_72 : memref<24576xi32, #tpu.memory_space<hbm>>) target(%arg6 : memref<24576xi32, #tpu.memory_space<vmem>>) target_semaphore(%run_scoped3A : memref<!tpu.dma_semaphore, #tpu.memory_space<semaphore_mem>>)
      %dma_wait3A = tpu.memref_slice %arg2[%mul3A_4] : memref<786432xi32, #tpu.memory_space<hbm>> -> memref<24576xi32, #tpu.memory_space<hbm>>
      %dma_wait3A_73 = tpu.memref_slice %arg2[%mul3A_4] : memref<786432xi32, #tpu.memory_space<hbm>> -> memref<24576xi32, #tpu.memory_space<hbm>>
      tpu.wait_dma2 semaphore(%run_scoped3A : memref<!tpu.dma_semaphore, #tpu.memory_space<semaphore_mem>>) src(%dma_wait3A_73 : memref<24576xi32, #tpu.memory_space<hbm>>) dst(%arg6 : memref<24576xi32, #tpu.memory_space<vmem>>)
      tpu.yield
    }) : () -> ()
    %broadcast_in_dim3A = arith.constant 0 : i32
    %broadcast_in_dim3A_5 = vector.broadcast %broadcast_in_dim3A : i32 to vector<16xi32>
    %swap3A = arith.constant 0 : index
    %swap3A_6 = tpu.vector_load %arg5[%swap3A] {strides = array<i32>} : memref<4096xi32, #tpu.memory_space<vmem>>, vector<16xi32>,
    tpu.vector_store %arg5[%swap3A], %broadcast_in_dim3A_5 {strides = array<i32>} : memref<4096xi32, #tpu.memory_space<vmem>>, vector<16xi32>,
    %swap3A_7 = arith.constant 16 : index
    %swap3A_8 = tpu.vector_load %arg5[%swap3A_7] {strides = array<i32>} : memref<4096xi32, #tpu.memory_space<vmem>>, vector<16xi32>,
    tpu.vector_store %arg5[%swap3A_7], %broadcast_in_dim3A_5 {strides = array<i32>} : memref<4096xi32, #tpu.memory_space<vmem>>, vector<16xi32>,
    %iota3A = tpu.iota {dimensions = array<i32: 0>} : vector<16xi32>
    %add3A_9 = arith.constant 0 : i32
    %add3A_10 = vector.broadcast %add3A_9 : i32 to vector<16xi32>
    %add3A_11 = arith.addi %iota3A, %add3A_10 : vector<16xi32>
    %add3A_12 = arith.constant 16 : i32
    %add3A_13 = vector.broadcast %add3A_12 : i32 to vector<16xi32>
    %add3A_14 = arith.addi %iota3A, %add3A_13 : vector<16xi32>
    %broadcast_in_dim3A_15 = arith.constant 0 : i32
    %broadcast_in_dim3A_16 = vector.broadcast %broadcast_in_dim3A_15 : i32 to vector<16x1xi32>
    %broadcast_in_dim3A_17 = arith.constant 1 : i32
    %broadcast_in_dim3A_18 = vector.broadcast %broadcast_in_dim3A_17 : i32 to vector<16x1xi32>
    %broadcast_in_dim3A_19 = arith.constant 2 : i32
    %broadcast_in_dim3A_20 = vector.broadcast %broadcast_in_dim3A_19 : i32 to vector<16x1xi32>
    %broadcast_in_dim3A_21 = arith.constant 3 : i32
    %broadcast_in_dim3A_22 = vector.broadcast %broadcast_in_dim3A_21 : i32 to vector<16x1xi32>
    %broadcast_in_dim3A_23 = arith.constant 4 : i32
    %broadcast_in_dim3A_24 = vector.broadcast %broadcast_in_dim3A_23 : i32 to vector<16x1xi32>
    %broadcast_in_dim3A_25 = arith.constant 5 : i32
    %broadcast_in_dim3A_26 = vector.broadcast %broadcast_in_dim3A_25 : i32 to vector<16x1xi32>
    %broadcast_in_dim3A_27 = arith.constant 6 : i32
    %broadcast_in_dim3A_28 = vector.broadcast %broadcast_in_dim3A_27 : i32 to vector<16x1xi32>
    %broadcast_in_dim3A_29 = arith.constant 7 : i32
    %broadcast_in_dim3A_30 = vector.broadcast %broadcast_in_dim3A_29 : i32 to vector<16x1xi32>
    %broadcast_in_dim3A_31 = arith.constant 8 : i32
    %broadcast_in_dim3A_32 = vector.broadcast %broadcast_in_dim3A_31 : i32 to vector<16x1xi32>
    %broadcast_in_dim3A_33 = arith.constant 9 : i32
    %broadcast_in_dim3A_34 = vector.broadcast %broadcast_in_dim3A_33 : i32 to vector<16x1xi32>
    %broadcast_in_dim3A_35 = arith.constant 10 : i32
    %broadcast_in_dim3A_36 = vector.broadcast %broadcast_in_dim3A_35 : i32 to vector<16x1xi32>
    %broadcast_in_dim3A_37 = arith.constant 11 : i32
    %broadcast_in_dim3A_38 = vector.broadcast %broadcast_in_dim3A_37 : i32 to vector<16x1xi32>
    %broadcast_in_dim3A_39 = arith.constant 12 : i32
    %broadcast_in_dim3A_40 = vector.broadcast %broadcast_in_dim3A_39 : i32 to vector<16x1xi32>
    %broadcast_in_dim3A_41 = arith.constant 13 : i32
    %broadcast_in_dim3A_42 = vector.broadcast %broadcast_in_dim3A_41 : i32 to vector<16x1xi32>
    %broadcast_in_dim3A_43 = arith.constant 14 : i32
    %broadcast_in_dim3A_44 = vector.broadcast %broadcast_in_dim3A_43 : i32 to vector<16x1xi32>
    %broadcast_in_dim3A_45 = arith.constant 15 : i32
    %broadcast_in_dim3A_46 = vector.broadcast %broadcast_in_dim3A_45 : i32 to vector<16x1xi32>
    %xor3A = arith.constant 8 : i32
    %xor3A_47 = vector.broadcast %xor3A : i32 to vector<16xi32>
    %xor3A_48 = arith.xori %iota3A, %xor3A_47 : vector<16xi32>
    %reshape3A = vector.shape_cast %xor3A_48 : vector<16xi32> to vector<16x1xi32>
    %xor3A_49 = arith.constant 4 : i32
    %xor3A_50 = vector.broadcast %xor3A_49 : i32 to vector<16xi32>
    %xor3A_51 = arith.xori %iota3A, %xor3A_50 : vector<16xi32>
    %reshape3A_52 = vector.shape_cast %xor3A_51 : vector<16xi32> to vector<16x1xi32>
    %xor3A_53 = arith.constant 2 : i32
    %xor3A_54 = vector.broadcast %xor3A_53 : i32 to vector<16xi32>
    %xor3A_55 = arith.xori %iota3A, %xor3A_54 : vector<16xi32>
    %reshape3A_56 = vector.shape_cast %xor3A_55 : vector<16xi32> to vector<16x1xi32>
    %xor3A_57 = arith.constant 1 : i32
    %xor3A_58 = vector.broadcast %xor3A_57 : i32 to vector<16xi32>
    %xor3A_59 = arith.xori %iota3A, %xor3A_58 : vector<16xi32>
    %reshape3A_60 = vector.shape_cast %xor3A_59 : vector<16xi32> to vector<16x1xi32>
    %broadcast_in_dim3A_61 = arith.constant 1 : i32
    %broadcast_in_dim3A_62 = vector.broadcast %broadcast_in_dim3A_61 : i32 to vector<16xi32>
    %broadcast_in_dim3A_63 = arith.constant -65536 : i32
    %broadcast_in_dim3A_64 = vector.broadcast %broadcast_in_dim3A_63 : i32 to vector<16xi32>
    %bitcast3A = vector.bitcast %broadcast_in_dim3A_5 : vector<16xi32> to vector<32xbf16>
    %scan3A = arith.constant 0 : i32
    %scan3A_65 = arith.constant 0 : i32
    %scan3A_66 = arith.constant 512 : i32
    %scan3A_67 = arith.addi %scan3A_65, %scan3A_66 : i32
    %scan3A_68 = arith.constant 1 : i32
    scf.for %scan3A_72 = %scan3A_65 to %scan3A_67 step %scan3A_68  : i32 {
      %mul3A_73 = arith.constant 48 : i32
      %mul3A_74 = arith.muli %scan3A_72, %mul3A_73 : i32
      %add3A_75 = arith.constant 0 : i32
      %add3A_76 = arith.addi %mul3A_74, %add3A_75 : i32
      %get3A = arith.index_cast %add3A_76 : i32 to index
      %get3A_77 = tpu.vector_load %arg6[%get3A] {strides = array<i32>} : memref<24576xi32, #tpu.memory_space<vmem>>, vector<16xi32>,
      %mul3A_78 = arith.constant 48 : i32
      %mul3A_79 = arith.muli %scan3A_72, %mul3A_78 : i32
      %add3A_80 = arith.constant 16 : i32
      %add3A_81 = arith.addi %mul3A_79, %add3A_80 : i32
      %get3A_82 = arith.index_cast %add3A_81 : i32 to index
      %get3A_83 = tpu.vector_load %arg6[%get3A_82] {strides = array<i32>} : memref<24576xi32, #tpu.memory_space<vmem>>, vector<16xi32>,
      %mul3A_84 = arith.constant 48 : i32
      %mul3A_85 = arith.muli %scan3A_72, %mul3A_84 : i32
      %add3A_86 = arith.constant 32 : i32
      %add3A_87 = arith.addi %mul3A_85, %add3A_86 : i32
      %get3A_88 = arith.index_cast %add3A_87 : i32 to index
      %get3A_89 = tpu.vector_load %arg6[%get3A_88] {strides = array<i32>} : memref<24576xi32, #tpu.memory_space<vmem>>, vector<16xi32>,
      %ne3A = arith.constant 0 : i32
      %ne3A_90 = vector.broadcast %ne3A : i32 to vector<16xi32>
      %ne3A_91 = arith.cmpi ne, %get3A_77, %ne3A_90 : vector<16xi32>
      %select_n3A = arith.select %ne3A_91, %broadcast_in_dim3A_62, %broadcast_in_dim3A_5 : vector<16xi1>, vector<16xi32>
      %add3A_92 = arith.addi %broadcast_in_dim3A_5, %select_n3A : vector<16xi32>
      %ne3A_93 = arith.constant 0 : i32
      %ne3A_94 = vector.broadcast %ne3A_93 : i32 to vector<16xi32>
      %ne3A_95 = arith.cmpi ne, %get3A_83, %ne3A_94 : vector<16xi32>
      %select_n3A_96 = arith.select %ne3A_95, %broadcast_in_dim3A_62, %broadcast_in_dim3A_5 : vector<16xi1>, vector<16xi32>
      %add3A_97 = arith.addi %add3A_92, %select_n3A_96 : vector<16xi32>
      %ne3A_98 = arith.constant 0 : i32
      %ne3A_99 = vector.broadcast %ne3A_98 : i32 to vector<16xi32>
      %ne3A_100 = arith.cmpi ne, %get3A_89, %ne3A_99 : vector<16xi32>
      %select_n3A_101 = arith.select %ne3A_100, %broadcast_in_dim3A_62, %broadcast_in_dim3A_5 : vector<16xi1>, vector<16xi32>
      %add3A_102 = arith.addi %add3A_97, %select_n3A_101 : vector<16xi32>
      %gather3A = vector.shape_cast %reshape3A : vector<16x1xi32> to vector<16xi32>
      %gather3A_103 = tpu.dynamic_gather %add3A_102[%gather3A] in [0] : vector<16xi32>, vector<16xi32> -> vector<16xi32>
      %add3A_104 = arith.addi %add3A_102, %gather3A_103 : vector<16xi32>
      %gather3A_105 = vector.shape_cast %reshape3A_52 : vector<16x1xi32> to vector<16xi32>
      %gather3A_106 = tpu.dynamic_gather %add3A_104[%gather3A_105] in [0] : vector<16xi32>, vector<16xi32> -> vector<16xi32>
      %add3A_107 = arith.addi %add3A_104, %gather3A_106 : vector<16xi32>
      %gather3A_108 = vector.shape_cast %reshape3A_56 : vector<16x1xi32> to vector<16xi32>
      %gather3A_109 = tpu.dynamic_gather %add3A_107[%gather3A_108] in [0] : vector<16xi32>, vector<16xi32> -> vector<16xi32>
      %add3A_110 = arith.addi %add3A_107, %gather3A_109 : vector<16xi32>
      %gather3A_111 = vector.shape_cast %reshape3A_60 : vector<16x1xi32> to vector<16xi32>
      %gather3A_112 = tpu.dynamic_gather %add3A_110[%gather3A_111] in [0] : vector<16xi32>, vector<16xi32> -> vector<16xi32>
      %add3A_113 = arith.addi %add3A_110, %gather3A_112 : vector<16xi32>
      %max3A = arith.maxsi %add3A_113, %broadcast_in_dim3A_62 : vector<16xi32>
      %convert_element_type3A = arith.sitofp %max3A : vector<16xi32> to vector<16xf32>
      %div3A = arith.constant 1.000000e+00 : f32
      %div3A_114 = vector.broadcast %div3A : f32 to vector<16xf32>
      %div3A_115 = arith.divf %div3A_114, %convert_element_type3A : vector<16xf32>
      %mul3A_116 = arith.constant 32 : i32
      %mul3A_117 = vector.broadcast %mul3A_116 : i32 to vector<16xi32>
      %mul3A_118 = arith.muli %get3A_77, %mul3A_117 : vector<16xi32>
      %gather3A_119 = vector.shape_cast %broadcast_in_dim3A_16 : vector<16x1xi32> to vector<16xi32>
      %gather3A_120 = tpu.dynamic_gather %mul3A_118[%gather3A_119] in [0] : vector<16xi32>, vector<16xi32> -> vector<16xi32>
      %add3A_121 = arith.addi %gather3A_120, %add3A_11 : vector<16xi32>
      %gather3A_122 = tpu.vector_load_idx %arg5[%add3A_121] : memref<4096xi32, #tpu.memory_space<vmem>>[vector<16xi32>], vector<16xi32>,
      %bitcast3A_123 = vector.bitcast %gather3A_122 : vector<16xi32> to vector<32xbf16>
      %add3A_124 = arith.addf %bitcast3A, %bitcast3A_123 : vector<32xbf16>
      %add3A_125 = arith.addi %gather3A_120, %add3A_14 : vector<16xi32>
      %gather3A_126 = tpu.vector_load_idx %arg5[%add3A_125] : memref<4096xi32, #tpu.memory_space<vmem>>[vector<16xi32>], vector<16xi32>,
      %bitcast3A_127 = vector.bitcast %gather3A_126 : vector<16xi32> to vector<32xbf16>
      %add3A_128 = arith.addf %bitcast3A, %bitcast3A_127 : vector<32xbf16>
      %gather3A_129 = vector.shape_cast %broadcast_in_dim3A_18 : vector<16x1xi32> to vector<16xi32>
      %gather3A_130 = tpu.dynamic_gather %mul3A_118[%gather3A_129] in [0] : vector<16xi32>, vector<16xi32> -> vector<16xi32>
      %add3A_131 = arith.addi %gather3A_130, %add3A_11 : vector<16xi32>
      %gather3A_132 = tpu.vector_load_idx %arg5[%add3A_131] : memref<4096xi32, #tpu.memory_space<vmem>>[vector<16xi32>], vector<16xi32>,
      %bitcast3A_133 = vector.bitcast %gather3A_132 : vector<16xi32> to vector<32xbf16>
      %add3A_134 = arith.addf %add3A_124, %bitcast3A_133 : vector<32xbf16>
      %add3A_135 = arith.addi %gather3A_130, %add3A_14 : vector<16xi32>
      %gather3A_136 = tpu.vector_load_idx %arg5[%add3A_135] : memref<4096xi32, #tpu.memory_space<vmem>>[vector<16xi32>], vector<16xi32>,
      %bitcast3A_137 = vector.bitcast %gather3A_136 : vector<16xi32> to vector<32xbf16>
      %add3A_138 = arith.addf %add3A_128, %bitcast3A_137 : vector<32xbf16>
      %gather3A_139 = vector.shape_cast %broadcast_in_dim3A_20 : vector<16x1xi32> to vector<16xi32>
      %gather3A_140 = tpu.dynamic_gather %mul3A_118[%gather3A_139] in [0] : vector<16xi32>, vector<16xi32> -> vector<16xi32>
      %add3A_141 = arith.addi %gather3A_140, %add3A_11 : vector<16xi32>
      %gather3A_142 = tpu.vector_load_idx %arg5[%add3A_141] : memref<4096xi32, #tpu.memory_space<vmem>>[vector<16xi32>], vector<16xi32>,
      %bitcast3A_143 = vector.bitcast %gather3A_142 : vector<16xi32> to vector<32xbf16>
      %add3A_144 = arith.addf %add3A_134, %bitcast3A_143 : vector<32xbf16>
      %add3A_145 = arith.addi %gather3A_140, %add3A_14 : vector<16xi32>
      %gather3A_146 = tpu.vector_load_idx %arg5[%add3A_145] : memref<4096xi32, #tpu.memory_space<vmem>>[vector<16xi32>], vector<16xi32>,
      %bitcast3A_147 = vector.bitcast %gather3A_146 : vector<16xi32> to vector<32xbf16>
      %add3A_148 = arith.addf %add3A_138, %bitcast3A_147 : vector<32xbf16>
      %gather3A_149 = vector.shape_cast %broadcast_in_dim3A_22 : vector<16x1xi32> to vector<16xi32>
      %gather3A_150 = tpu.dynamic_gather %mul3A_118[%gather3A_149] in [0] : vector<16xi32>, vector<16xi32> -> vector<16xi32>
      %add3A_151 = arith.addi %gather3A_150, %add3A_11 : vector<16xi32>
      %gather3A_152 = tpu.vector_load_idx %arg5[%add3A_151] : memref<4096xi32, #tpu.memory_space<vmem>>[vector<16xi32>], vector<16xi32>,
      %bitcast3A_153 = vector.bitcast %gather3A_152 : vector<16xi32> to vector<32xbf16>
      %add3A_154 = arith.addf %add3A_144, %bitcast3A_153 : vector<32xbf16>
      %add3A_155 = arith.addi %gather3A_150, %add3A_14 : vector<16xi32>
      %gather3A_156 = tpu.vector_load_idx %arg5[%add3A_155] : memref<4096xi32, #tpu.memory_space<vmem>>[vector<16xi32>], vector<16xi32>,
      %bitcast3A_157 = vector.bitcast %gather3A_156 : vector<16xi32> to vector<32xbf16>
      %add3A_158 = arith.addf %add3A_148, %bitcast3A_157 : vector<32xbf16>
      %gather3A_159 = vector.shape_cast %broadcast_in_dim3A_24 : vector<16x1xi32> to vector<16xi32>
      %gather3A_160 = tpu.dynamic_gather %mul3A_118[%gather3A_159] in [0] : vector<16xi32>, vector<16xi32> -> vector<16xi32>
      %add3A_161 = arith.addi %gather3A_160, %add3A_11 : vector<16xi32>
      %gather3A_162 = tpu.vector_load_idx %arg5[%add3A_161] : memref<4096xi32, #tpu.memory_space<vmem>>[vector<16xi32>], vector<16xi32>,
      %bitcast3A_163 = vector.bitcast %gather3A_162 : vector<16xi32> to vector<32xbf16>
      %add3A_164 = arith.addf %add3A_154, %bitcast3A_163 : vector<32xbf16>
      %add3A_165 = arith.addi %gather3A_160, %add3A_14 : vector<16xi32>
      %gather3A_166 = tpu.vector_load_idx %arg5[%add3A_165] : memref<4096xi32, #tpu.memory_space<vmem>>[vector<16xi32>], vector<16xi32>,
      %bitcast3A_167 = vector.bitcast %gather3A_166 : vector<16xi32> to vector<32xbf16>
      %add3A_168 = arith.addf %add3A_158, %bitcast3A_167 : vector<32xbf16>
      %gather3A_169 = vector.shape_cast %broadcast_in_dim3A_26 : vector<16x1xi32> to vector<16xi32>
      %gather3A_170 = tpu.dynamic_gather %mul3A_118[%gather3A_169] in [0] : vector<16xi32>, vector<16xi32> -> vector<16xi32>
      %add3A_171 = arith.addi %gather3A_170, %add3A_11 : vector<16xi32>
      %gather3A_172 = tpu.vector_load_idx %arg5[%add3A_171] : memref<4096xi32, #tpu.memory_space<vmem>>[vector<16xi32>], vector<16xi32>,
      %bitcast3A_173 = vector.bitcast %gather3A_172 : vector<16xi32> to vector<32xbf16>
      %add3A_174 = arith.addf %add3A_164, %bitcast3A_173 : vector<32xbf16>
      %add3A_175 = arith.addi %gather3A_170, %add3A_14 : vector<16xi32>
      %gather3A_176 = tpu.vector_load_idx %arg5[%add3A_175] : memref<4096xi32, #tpu.memory_space<vmem>>[vector<16xi32>], vector<16xi32>,
      %bitcast3A_177 = vector.bitcast %gather3A_176 : vector<16xi32> to vector<32xbf16>
      %add3A_178 = arith.addf %add3A_168, %bitcast3A_177 : vector<32xbf16>
      %gather3A_179 = vector.shape_cast %broadcast_in_dim3A_28 : vector<16x1xi32> to vector<16xi32>
      %gather3A_180 = tpu.dynamic_gather %mul3A_118[%gather3A_179] in [0] : vector<16xi32>, vector<16xi32> -> vector<16xi32>
      %add3A_181 = arith.addi %gather3A_180, %add3A_11 : vector<16xi32>
      %gather3A_182 = tpu.vector_load_idx %arg5[%add3A_181] : memref<4096xi32, #tpu.memory_space<vmem>>[vector<16xi32>], vector<16xi32>,
      %bitcast3A_183 = vector.bitcast %gather3A_182 : vector<16xi32> to vector<32xbf16>
      %add3A_184 = arith.addf %add3A_174, %bitcast3A_183 : vector<32xbf16>
      %add3A_185 = arith.addi %gather3A_180, %add3A_14 : vector<16xi32>
      %gather3A_186 = tpu.vector_load_idx %arg5[%add3A_185] : memref<4096xi32, #tpu.memory_space<vmem>>[vector<16xi32>], vector<16xi32>,
      %bitcast3A_187 = vector.bitcast %gather3A_186 : vector<16xi32> to vector<32xbf16>
      %add3A_188 = arith.addf %add3A_178, %bitcast3A_187 : vector<32xbf16>
      %gather3A_189 = vector.shape_cast %broadcast_in_dim3A_30 : vector<16x1xi32> to vector<16xi32>
      %gather3A_190 = tpu.dynamic_gather %mul3A_118[%gather3A_189] in [0] : vector<16xi32>, vector<16xi32> -> vector<16xi32>
      %add3A_191 = arith.addi %gather3A_190, %add3A_11 : vector<16xi32>
      %gather3A_192 = tpu.vector_load_idx %arg5[%add3A_191] : memref<4096xi32, #tpu.memory_space<vmem>>[vector<16xi32>], vector<16xi32>,
      %bitcast3A_193 = vector.bitcast %gather3A_192 : vector<16xi32> to vector<32xbf16>
      %add3A_194 = arith.addf %add3A_184, %bitcast3A_193 : vector<32xbf16>
      %add3A_195 = arith.addi %gather3A_190, %add3A_14 : vector<16xi32>
      %gather3A_196 = tpu.vector_load_idx %arg5[%add3A_195] : memref<4096xi32, #tpu.memory_space<vmem>>[vector<16xi32>], vector<16xi32>,
      %bitcast3A_197 = vector.bitcast %gather3A_196 : vector<16xi32> to vector<32xbf16>
      %add3A_198 = arith.addf %add3A_188, %bitcast3A_197 : vector<32xbf16>
      %gather3A_199 = vector.shape_cast %broadcast_in_dim3A_32 : vector<16x1xi32> to vector<16xi32>
      %gather3A_200 = tpu.dynamic_gather %mul3A_118[%gather3A_199] in [0] : vector<16xi32>, vector<16xi32> -> vector<16xi32>
      %add3A_201 = arith.addi %gather3A_200, %add3A_11 : vector<16xi32>
      %gather3A_202 = tpu.vector_load_idx %arg5[%add3A_201] : memref<4096xi32, #tpu.memory_space<vmem>>[vector<16xi32>], vector<16xi32>,
      %bitcast3A_203 = vector.bitcast %gather3A_202 : vector<16xi32> to vector<32xbf16>
      %add3A_204 = arith.addf %add3A_194, %bitcast3A_203 : vector<32xbf16>
      %add3A_205 = arith.addi %gather3A_200, %add3A_14 : vector<16xi32>
      %gather3A_206 = tpu.vector_load_idx %arg5[%add3A_205] : memref<4096xi32, #tpu.memory_space<vmem>>[vector<16xi32>], vector<16xi32>,
      %bitcast3A_207 = vector.bitcast %gather3A_206 : vector<16xi32> to vector<32xbf16>
      %add3A_208 = arith.addf %add3A_198, %bitcast3A_207 : vector<32xbf16>
      %gather3A_209 = vector.shape_cast %broadcast_in_dim3A_34 : vector<16x1xi32> to vector<16xi32>
      %gather3A_210 = tpu.dynamic_gather %mul3A_118[%gather3A_209] in [0] : vector<16xi32>, vector<16xi32> -> vector<16xi32>
      %add3A_211 = arith.addi %gather3A_210, %add3A_11 : vector<16xi32>
      %gather3A_212 = tpu.vector_load_idx %arg5[%add3A_211] : memref<4096xi32, #tpu.memory_space<vmem>>[vector<16xi32>], vector<16xi32>,
      %bitcast3A_213 = vector.bitcast %gather3A_212 : vector<16xi32> to vector<32xbf16>
      %add3A_214 = arith.addf %add3A_204, %bitcast3A_213 : vector<32xbf16>
      %add3A_215 = arith.addi %gather3A_210, %add3A_14 : vector<16xi32>
      %gather3A_216 = tpu.vector_load_idx %arg5[%add3A_215] : memref<4096xi32, #tpu.memory_space<vmem>>[vector<16xi32>], vector<16xi32>,
      %bitcast3A_217 = vector.bitcast %gather3A_216 : vector<16xi32> to vector<32xbf16>
      %add3A_218 = arith.addf %add3A_208, %bitcast3A_217 : vector<32xbf16>
      %gather3A_219 = vector.shape_cast %broadcast_in_dim3A_36 : vector<16x1xi32> to vector<16xi32>
      %gather3A_220 = tpu.dynamic_gather %mul3A_118[%gather3A_219] in [0] : vector<16xi32>, vector<16xi32> -> vector<16xi32>
      %add3A_221 = arith.addi %gather3A_220, %add3A_11 : vector<16xi32>
      %gather3A_222 = tpu.vector_load_idx %arg5[%add3A_221] : memref<4096xi32, #tpu.memory_space<vmem>>[vector<16xi32>], vector<16xi32>,
      %bitcast3A_223 = vector.bitcast %gather3A_222 : vector<16xi32> to vector<32xbf16>
      %add3A_224 = arith.addf %add3A_214, %bitcast3A_223 : vector<32xbf16>
      %add3A_225 = arith.addi %gather3A_220, %add3A_14 : vector<16xi32>
      %gather3A_226 = tpu.vector_load_idx %arg5[%add3A_225] : memref<4096xi32, #tpu.memory_space<vmem>>[vector<16xi32>], vector<16xi32>,
      %bitcast3A_227 = vector.bitcast %gather3A_226 : vector<16xi32> to vector<32xbf16>
      %add3A_228 = arith.addf %add3A_218, %bitcast3A_227 : vector<32xbf16>
      %gather3A_229 = vector.shape_cast %broadcast_in_dim3A_38 : vector<16x1xi32> to vector<16xi32>
      %gather3A_230 = tpu.dynamic_gather %mul3A_118[%gather3A_229] in [0] : vector<16xi32>, vector<16xi32> -> vector<16xi32>
      %add3A_231 = arith.addi %gather3A_230, %add3A_11 : vector<16xi32>
      %gather3A_232 = tpu.vector_load_idx %arg5[%add3A_231] : memref<4096xi32, #tpu.memory_space<vmem>>[vector<16xi32>], vector<16xi32>,
      %bitcast3A_233 = vector.bitcast %gather3A_232 : vector<16xi32> to vector<32xbf16>
      %add3A_234 = arith.addf %add3A_224, %bitcast3A_233 : vector<32xbf16>
      %add3A_235 = arith.addi %gather3A_230, %add3A_14 : vector<16xi32>
      %gather3A_236 = tpu.vector_load_idx %arg5[%add3A_235] : memref<4096xi32, #tpu.memory_space<vmem>>[vector<16xi32>], vector<16xi32>,
      %bitcast3A_237 = vector.bitcast %gather3A_236 : vector<16xi32> to vector<32xbf16>
      %add3A_238 = arith.addf %add3A_228, %bitcast3A_237 : vector<32xbf16>
      %gather3A_239 = vector.shape_cast %broadcast_in_dim3A_40 : vector<16x1xi32> to vector<16xi32>
      %gather3A_240 = tpu.dynamic_gather %mul3A_118[%gather3A_239] in [0] : vector<16xi32>, vector<16xi32> -> vector<16xi32>
      %add3A_241 = arith.addi %gather3A_240, %add3A_11 : vector<16xi32>
      %gather3A_242 = tpu.vector_load_idx %arg5[%add3A_241] : memref<4096xi32, #tpu.memory_space<vmem>>[vector<16xi32>], vector<16xi32>,
      %bitcast3A_243 = vector.bitcast %gather3A_242 : vector<16xi32> to vector<32xbf16>
      %add3A_244 = arith.addf %add3A_234, %bitcast3A_243 : vector<32xbf16>
      %add3A_245 = arith.addi %gather3A_240, %add3A_14 : vector<16xi32>
      %gather3A_246 = tpu.vector_load_idx %arg5[%add3A_245] : memref<4096xi32, #tpu.memory_space<vmem>>[vector<16xi32>], vector<16xi32>,
      %bitcast3A_247 = vector.bitcast %gather3A_246 : vector<16xi32> to vector<32xbf16>
      %add3A_248 = arith.addf %add3A_238, %bitcast3A_247 : vector<32xbf16>
      %gather3A_249 = vector.shape_cast %broadcast_in_dim3A_42 : vector<16x1xi32> to vector<16xi32>
      %gather3A_250 = tpu.dynamic_gather %mul3A_118[%gather3A_249] in [0] : vector<16xi32>, vector<16xi32> -> vector<16xi32>
      %add3A_251 = arith.addi %gather3A_250, %add3A_11 : vector<16xi32>
      %gather3A_252 = tpu.vector_load_idx %arg5[%add3A_251] : memref<4096xi32, #tpu.memory_space<vmem>>[vector<16xi32>], vector<16xi32>,
      %bitcast3A_253 = vector.bitcast %gather3A_252 : vector<16xi32> to vector<32xbf16>
      %add3A_254 = arith.addf %add3A_244, %bitcast3A_253 : vector<32xbf16>
      %add3A_255 = arith.addi %gather3A_250, %add3A_14 : vector<16xi32>
      %gather3A_256 = tpu.vector_load_idx %arg5[%add3A_255] : memref<4096xi32, #tpu.memory_space<vmem>>[vector<16xi32>], vector<16xi32>,
      %bitcast3A_257 = vector.bitcast %gather3A_256 : vector<16xi32> to vector<32xbf16>
      %add3A_258 = arith.addf %add3A_248, %bitcast3A_257 : vector<32xbf16>
      %gather3A_259 = vector.shape_cast %broadcast_in_dim3A_44 : vector<16x1xi32> to vector<16xi32>
      %gather3A_260 = tpu.dynamic_gather %mul3A_118[%gather3A_259] in [0] : vector<16xi32>, vector<16xi32> -> vector<16xi32>
      %add3A_261 = arith.addi %gather3A_260, %add3A_11 : vector<16xi32>
      %gather3A_262 = tpu.vector_load_idx %arg5[%add3A_261] : memref<4096xi32, #tpu.memory_space<vmem>>[vector<16xi32>], vector<16xi32>,
      %bitcast3A_263 = vector.bitcast %gather3A_262 : vector<16xi32> to vector<32xbf16>
      %add3A_264 = arith.addf %add3A_254, %bitcast3A_263 : vector<32xbf16>
      %add3A_265 = arith.addi %gather3A_260, %add3A_14 : vector<16xi32>
      %gather3A_266 = tpu.vector_load_idx %arg5[%add3A_265] : memref<4096xi32, #tpu.memory_space<vmem>>[vector<16xi32>], vector<16xi32>,
      %bitcast3A_267 = vector.bitcast %gather3A_266 : vector<16xi32> to vector<32xbf16>
      %add3A_268 = arith.addf %add3A_258, %bitcast3A_267 : vector<32xbf16>
      %gather3A_269 = vector.shape_cast %broadcast_in_dim3A_46 : vector<16x1xi32> to vector<16xi32>
      %gather3A_270 = tpu.dynamic_gather %mul3A_118[%gather3A_269] in [0] : vector<16xi32>, vector<16xi32> -> vector<16xi32>
      %add3A_271 = arith.addi %gather3A_270, %add3A_11 : vector<16xi32>
      %gather3A_272 = tpu.vector_load_idx %arg5[%add3A_271] : memref<4096xi32, #tpu.memory_space<vmem>>[vector<16xi32>], vector<16xi32>,
      %bitcast3A_273 = vector.bitcast %gather3A_272 : vector<16xi32> to vector<32xbf16>
      %add3A_274 = arith.addf %add3A_264, %bitcast3A_273 : vector<32xbf16>
      %add3A_275 = arith.addi %gather3A_270, %add3A_14 : vector<16xi32>
      %gather3A_276 = tpu.vector_load_idx %arg5[%add3A_275] : memref<4096xi32, #tpu.memory_space<vmem>>[vector<16xi32>], vector<16xi32>,
      %bitcast3A_277 = vector.bitcast %gather3A_276 : vector<16xi32> to vector<32xbf16>
      %add3A_278 = arith.addf %add3A_268, %bitcast3A_277 : vector<32xbf16>
      %mul3A_279 = arith.constant 32 : i32
      %mul3A_280 = vector.broadcast %mul3A_279 : i32 to vector<16xi32>
      %mul3A_281 = arith.muli %get3A_83, %mul3A_280 : vector<16xi32>
      %gather3A_282 = vector.shape_cast %broadcast_in_dim3A_16 : vector<16x1xi32> to vector<16xi32>
      %gather3A_283 = tpu.dynamic_gather %mul3A_281[%gather3A_282] in [0] : vector<16xi32>, vector<16xi32> -> vector<16xi32>
      %add3A_284 = arith.addi %gather3A_283, %add3A_11 : vector<16xi32>
      %gather3A_285 = tpu.vector_load_idx %arg5[%add3A_284] : memref<4096xi32, #tpu.memory_space<vmem>>[vector<16xi32>], vector<16xi32>,
      %bitcast3A_286 = vector.bitcast %gather3A_285 : vector<16xi32> to vector<32xbf16>
      %add3A_287 = arith.addf %bitcast3A, %bitcast3A_286 : vector<32xbf16>
      %add3A_288 = arith.addi %gather3A_283, %add3A_14 : vector<16xi32>
      %gather3A_289 = tpu.vector_load_idx %arg5[%add3A_288] : memref<4096xi32, #tpu.memory_space<vmem>>[vector<16xi32>], vector<16xi32>,
      %bitcast3A_290 = vector.bitcast %gather3A_289 : vector<16xi32> to vector<32xbf16>
      %add3A_291 = arith.addf %bitcast3A, %bitcast3A_290 : vector<32xbf16>
      %gather3A_292 = vector.shape_cast %broadcast_in_dim3A_18 : vector<16x1xi32> to vector<16xi32>
      %gather3A_293 = tpu.dynamic_gather %mul3A_281[%gather3A_292] in [0] : vector<16xi32>, vector<16xi32> -> vector<16xi32>
      %add3A_294 = arith.addi %gather3A_293, %add3A_11 : vector<16xi32>
      %gather3A_295 = tpu.vector_load_idx %arg5[%add3A_294] : memref<4096xi32, #tpu.memory_space<vmem>>[vector<16xi32>], vector<16xi32>,
      %bitcast3A_296 = vector.bitcast %gather3A_295 : vector<16xi32> to vector<32xbf16>
      %add3A_297 = arith.addf %add3A_287, %bitcast3A_296 : vector<32xbf16>
      %add3A_298 = arith.addi %gather3A_293, %add3A_14 : vector<16xi32>
      %gather3A_299 = tpu.vector_load_idx %arg5[%add3A_298] : memref<4096xi32, #tpu.memory_space<vmem>>[vector<16xi32>], vector<16xi32>,
      %bitcast3A_300 = vector.bitcast %gather3A_299 : vector<16xi32> to vector<32xbf16>
      %add3A_301 = arith.addf %add3A_291, %bitcast3A_300 : vector<32xbf16>
      %gather3A_302 = vector.shape_cast %broadcast_in_dim3A_20 : vector<16x1xi32> to vector<16xi32>
      %gather3A_303 = tpu.dynamic_gather %mul3A_281[%gather3A_302] in [0] : vector<16xi32>, vector<16xi32> -> vector<16xi32>
      %add3A_304 = arith.addi %gather3A_303, %add3A_11 : vector<16xi32>
      %gather3A_305 = tpu.vector_load_idx %arg5[%add3A_304] : memref<4096xi32, #tpu.memory_space<vmem>>[vector<16xi32>], vector<16xi32>,
      %bitcast3A_306 = vector.bitcast %gather3A_305 : vector<16xi32> to vector<32xbf16>
      %add3A_307 = arith.addf %add3A_297, %bitcast3A_306 : vector<32xbf16>
      %add3A_308 = arith.addi %gather3A_303, %add3A_14 : vector<16xi32>
      %gather3A_309 = tpu.vector_load_idx %arg5[%add3A_308] : memref<4096xi32, #tpu.memory_space<vmem>>[vector<16xi32>], vector<16xi32>,
      %bitcast3A_310 = vector.bitcast %gather3A_309 : vector<16xi32> to vector<32xbf16>
      %add3A_311 = arith.addf %add3A_301, %bitcast3A_310 : vector<32xbf16>
      %gather3A_312 = vector.shape_cast %broadcast_in_dim3A_22 : vector<16x1xi32> to vector<16xi32>
      %gather3A_313 = tpu.dynamic_gather %mul3A_281[%gather3A_312] in [0] : vector<16xi32>, vector<16xi32> -> vector<16xi32>
      %add3A_314 = arith.addi %gather3A_313, %add3A_11 : vector<16xi32>
      %gather3A_315 = tpu.vector_load_idx %arg5[%add3A_314] : memref<4096xi32, #tpu.memory_space<vmem>>[vector<16xi32>], vector<16xi32>,
      %bitcast3A_316 = vector.bitcast %gather3A_315 : vector<16xi32> to vector<32xbf16>
      %add3A_317 = arith.addf %add3A_307, %bitcast3A_316 : vector<32xbf16>
      %add3A_318 = arith.addi %gather3A_313, %add3A_14 : vector<16xi32>
      %gather3A_319 = tpu.vector_load_idx %arg5[%add3A_318] : memref<4096xi32, #tpu.memory_space<vmem>>[vector<16xi32>], vector<16xi32>,
      %bitcast3A_320 = vector.bitcast %gather3A_319 : vector<16xi32> to vector<32xbf16>
      %add3A_321 = arith.addf %add3A_311, %bitcast3A_320 : vector<32xbf16>
      %gather3A_322 = vector.shape_cast %broadcast_in_dim3A_24 : vector<16x1xi32> to vector<16xi32>
      %gather3A_323 = tpu.dynamic_gather %mul3A_281[%gather3A_322] in [0] : vector<16xi32>, vector<16xi32> -> vector<16xi32>
      %add3A_324 = arith.addi %gather3A_323, %add3A_11 : vector<16xi32>
      %gather3A_325 = tpu.vector_load_idx %arg5[%add3A_324] : memref<4096xi32, #tpu.memory_space<vmem>>[vector<16xi32>], vector<16xi32>,
      %bitcast3A_326 = vector.bitcast %gather3A_325 : vector<16xi32> to vector<32xbf16>
      %add3A_327 = arith.addf %add3A_317, %bitcast3A_326 : vector<32xbf16>
      %add3A_328 = arith.addi %gather3A_323, %add3A_14 : vector<16xi32>
      %gather3A_329 = tpu.vector_load_idx %arg5[%add3A_328] : memref<4096xi32, #tpu.memory_space<vmem>>[vector<16xi32>], vector<16xi32>,
      %bitcast3A_330 = vector.bitcast %gather3A_329 : vector<16xi32> to vector<32xbf16>
      %add3A_331 = arith.addf %add3A_321, %bitcast3A_330 : vector<32xbf16>
      %gather3A_332 = vector.shape_cast %broadcast_in_dim3A_26 : vector<16x1xi32> to vector<16xi32>
      %gather3A_333 = tpu.dynamic_gather %mul3A_281[%gather3A_332] in [0] : vector<16xi32>, vector<16xi32> -> vector<16xi32>
      %add3A_334 = arith.addi %gather3A_333, %add3A_11 : vector<16xi32>
      %gather3A_335 = tpu.vector_load_idx %arg5[%add3A_334] : memref<4096xi32, #tpu.memory_space<vmem>>[vector<16xi32>], vector<16xi32>,
      %bitcast3A_336 = vector.bitcast %gather3A_335 : vector<16xi32> to vector<32xbf16>
      %add3A_337 = arith.addf %add3A_327, %bitcast3A_336 : vector<32xbf16>
      %add3A_338 = arith.addi %gather3A_333, %add3A_14 : vector<16xi32>
      %gather3A_339 = tpu.vector_load_idx %arg5[%add3A_338] : memref<4096xi32, #tpu.memory_space<vmem>>[vector<16xi32>], vector<16xi32>,
      %bitcast3A_340 = vector.bitcast %gather3A_339 : vector<16xi32> to vector<32xbf16>
      %add3A_341 = arith.addf %add3A_331, %bitcast3A_340 : vector<32xbf16>
      %gather3A_342 = vector.shape_cast %broadcast_in_dim3A_28 : vector<16x1xi32> to vector<16xi32>
      %gather3A_343 = tpu.dynamic_gather %mul3A_281[%gather3A_342] in [0] : vector<16xi32>, vector<16xi32> -> vector<16xi32>
      %add3A_344 = arith.addi %gather3A_343, %add3A_11 : vector<16xi32>
      %gather3A_345 = tpu.vector_load_idx %arg5[%add3A_344] : memref<4096xi32, #tpu.memory_space<vmem>>[vector<16xi32>], vector<16xi32>,
      %bitcast3A_346 = vector.bitcast %gather3A_345 : vector<16xi32> to vector<32xbf16>
      %add3A_347 = arith.addf %add3A_337, %bitcast3A_346 : vector<32xbf16>
      %add3A_348 = arith.addi %gather3A_343, %add3A_14 : vector<16xi32>
      %gather3A_349 = tpu.vector_load_idx %arg5[%add3A_348] : memref<4096xi32, #tpu.memory_space<vmem>>[vector<16xi32>], vector<16xi32>,
      %bitcast3A_350 = vector.bitcast %gather3A_349 : vector<16xi32> to vector<32xbf16>
      %add3A_351 = arith.addf %add3A_341, %bitcast3A_350 : vector<32xbf16>
      %gather3A_352 = vector.shape_cast %broadcast_in_dim3A_30 : vector<16x1xi32> to vector<16xi32>
      %gather3A_353 = tpu.dynamic_gather %mul3A_281[%gather3A_352] in [0] : vector<16xi32>, vector<16xi32> -> vector<16xi32>
      %add3A_354 = arith.addi %gather3A_353, %add3A_11 : vector<16xi32>
      %gather3A_355 = tpu.vector_load_idx %arg5[%add3A_354] : memref<4096xi32, #tpu.memory_space<vmem>>[vector<16xi32>], vector<16xi32>,
      %bitcast3A_356 = vector.bitcast %gather3A_355 : vector<16xi32> to vector<32xbf16>
      %add3A_357 = arith.addf %add3A_347, %bitcast3A_356 : vector<32xbf16>
      %add3A_358 = arith.addi %gather3A_353, %add3A_14 : vector<16xi32>
      %gather3A_359 = tpu.vector_load_idx %arg5[%add3A_358] : memref<4096xi32, #tpu.memory_space<vmem>>[vector<16xi32>], vector<16xi32>,
      %bitcast3A_360 = vector.bitcast %gather3A_359 : vector<16xi32> to vector<32xbf16>
      %add3A_361 = arith.addf %add3A_351, %bitcast3A_360 : vector<32xbf16>
      %gather3A_362 = vector.shape_cast %broadcast_in_dim3A_32 : vector<16x1xi32> to vector<16xi32>
      %gather3A_363 = tpu.dynamic_gather %mul3A_281[%gather3A_362] in [0] : vector<16xi32>, vector<16xi32> -> vector<16xi32>
      %add3A_364 = arith.addi %gather3A_363, %add3A_11 : vector<16xi32>
      %gather3A_365 = tpu.vector_load_idx %arg5[%add3A_364] : memref<4096xi32, #tpu.memory_space<vmem>>[vector<16xi32>], vector<16xi32>,
      %bitcast3A_366 = vector.bitcast %gather3A_365 : vector<16xi32> to vector<32xbf16>
      %add3A_367 = arith.addf %add3A_357, %bitcast3A_366 : vector<32xbf16>
      %add3A_368 = arith.addi %gather3A_363, %add3A_14 : vector<16xi32>
      %gather3A_369 = tpu.vector_load_idx %arg5[%add3A_368] : memref<4096xi32, #tpu.memory_space<vmem>>[vector<16xi32>], vector<16xi32>,
      %bitcast3A_370 = vector.bitcast %gather3A_369 : vector<16xi32> to vector<32xbf16>
      %add3A_371 = arith.addf %add3A_361, %bitcast3A_370 : vector<32xbf16>
      %gather3A_372 = vector.shape_cast %broadcast_in_dim3A_34 : vector<16x1xi32> to vector<16xi32>
      %gather3A_373 = tpu.dynamic_gather %mul3A_281[%gather3A_372] in [0] : vector<16xi32>, vector<16xi32> -> vector<16xi32>
      %add3A_374 = arith.addi %gather3A_373, %add3A_11 : vector<16xi32>
      %gather3A_375 = tpu.vector_load_idx %arg5[%add3A_374] : memref<4096xi32, #tpu.memory_space<vmem>>[vector<16xi32>], vector<16xi32>,
      %bitcast3A_376 = vector.bitcast %gather3A_375 : vector<16xi32> to vector<32xbf16>
      %add3A_377 = arith.addf %add3A_367, %bitcast3A_376 : vector<32xbf16>
      %add3A_378 = arith.addi %gather3A_373, %add3A_14 : vector<16xi32>
      %gather3A_379 = tpu.vector_load_idx %arg5[%add3A_378] : memref<4096xi32, #tpu.memory_space<vmem>>[vector<16xi32>], vector<16xi32>,
      %bitcast3A_380 = vector.bitcast %gather3A_379 : vector<16xi32> to vector<32xbf16>
      %add3A_381 = arith.addf %add3A_371, %bitcast3A_380 : vector<32xbf16>
      %gather3A_382 = vector.shape_cast %broadcast_in_dim3A_36 : vector<16x1xi32> to vector<16xi32>
      %gather3A_383 = tpu.dynamic_gather %mul3A_281[%gather3A_382] in [0] : vector<16xi32>, vector<16xi32> -> vector<16xi32>
      %add3A_384 = arith.addi %gather3A_383, %add3A_11 : vector<16xi32>
      %gather3A_385 = tpu.vector_load_idx %arg5[%add3A_384] : memref<4096xi32, #tpu.memory_space<vmem>>[vector<16xi32>], vector<16xi32>,
      %bitcast3A_386 = vector.bitcast %gather3A_385 : vector<16xi32> to vector<32xbf16>
      %add3A_387 = arith.addf %add3A_377, %bitcast3A_386 : vector<32xbf16>
      %add3A_388 = arith.addi %gather3A_383, %add3A_14 : vector<16xi32>
      %gather3A_389 = tpu.vector_load_idx %arg5[%add3A_388] : memref<4096xi32, #tpu.memory_space<vmem>>[vector<16xi32>], vector<16xi32>,
      %bitcast3A_390 = vector.bitcast %gather3A_389 : vector<16xi32> to vector<32xbf16>
      %add3A_391 = arith.addf %add3A_381, %bitcast3A_390 : vector<32xbf16>
      %gather3A_392 = vector.shape_cast %broadcast_in_dim3A_38 : vector<16x1xi32> to vector<16xi32>
      %gather3A_393 = tpu.dynamic_gather %mul3A_281[%gather3A_392] in [0] : vector<16xi32>, vector<16xi32> -> vector<16xi32>
      %add3A_394 = arith.addi %gather3A_393, %add3A_11 : vector<16xi32>
      %gather3A_395 = tpu.vector_load_idx %arg5[%add3A_394] : memref<4096xi32, #tpu.memory_space<vmem>>[vector<16xi32>], vector<16xi32>,
      %bitcast3A_396 = vector.bitcast %gather3A_395 : vector<16xi32> to vector<32xbf16>
      %add3A_397 = arith.addf %add3A_387, %bitcast3A_396 : vector<32xbf16>
      %add3A_398 = arith.addi %gather3A_393, %add3A_14 : vector<16xi32>
      %gather3A_399 = tpu.vector_load_idx %arg5[%add3A_398] : memref<4096xi32, #tpu.memory_space<vmem>>[vector<16xi32>], vector<16xi32>,
      %bitcast3A_400 = vector.bitcast %gather3A_399 : vector<16xi32> to vector<32xbf16>
      %add3A_401 = arith.addf %add3A_391, %bitcast3A_400 : vector<32xbf16>
      %gather3A_402 = vector.shape_cast %broadcast_in_dim3A_40 : vector<16x1xi32> to vector<16xi32>
      %gather3A_403 = tpu.dynamic_gather %mul3A_281[%gather3A_402] in [0] : vector<16xi32>, vector<16xi32> -> vector<16xi32>
      %add3A_404 = arith.addi %gather3A_403, %add3A_11 : vector<16xi32>
      %gather3A_405 = tpu.vector_load_idx %arg5[%add3A_404] : memref<4096xi32, #tpu.memory_space<vmem>>[vector<16xi32>], vector<16xi32>,
      %bitcast3A_406 = vector.bitcast %gather3A_405 : vector<16xi32> to vector<32xbf16>
      %add3A_407 = arith.addf %add3A_397, %bitcast3A_406 : vector<32xbf16>
      %add3A_408 = arith.addi %gather3A_403, %add3A_14 : vector<16xi32>
      %gather3A_409 = tpu.vector_load_idx %arg5[%add3A_408] : memref<4096xi32, #tpu.memory_space<vmem>>[vector<16xi32>], vector<16xi32>,
      %bitcast3A_410 = vector.bitcast %gather3A_409 : vector<16xi32> to vector<32xbf16>
      %add3A_411 = arith.addf %add3A_401, %bitcast3A_410 : vector<32xbf16>
      %gather3A_412 = vector.shape_cast %broadcast_in_dim3A_42 : vector<16x1xi32> to vector<16xi32>
      %gather3A_413 = tpu.dynamic_gather %mul3A_281[%gather3A_412] in [0] : vector<16xi32>, vector<16xi32> -> vector<16xi32>
      %add3A_414 = arith.addi %gather3A_413, %add3A_11 : vector<16xi32>
      %gather3A_415 = tpu.vector_load_idx %arg5[%add3A_414] : memref<4096xi32, #tpu.memory_space<vmem>>[vector<16xi32>], vector<16xi32>,
      %bitcast3A_416 = vector.bitcast %gather3A_415 : vector<16xi32> to vector<32xbf16>
      %add3A_417 = arith.addf %add3A_407, %bitcast3A_416 : vector<32xbf16>
      %add3A_418 = arith.addi %gather3A_413, %add3A_14 : vector<16xi32>
      %gather3A_419 = tpu.vector_load_idx %arg5[%add3A_418] : memref<4096xi32, #tpu.memory_space<vmem>>[vector<16xi32>], vector<16xi32>,
      %bitcast3A_420 = vector.bitcast %gather3A_419 : vector<16xi32> to vector<32xbf16>
      %add3A_421 = arith.addf %add3A_411, %bitcast3A_420 : vector<32xbf16>
      %gather3A_422 = vector.shape_cast %broadcast_in_dim3A_44 : vector<16x1xi32> to vector<16xi32>
      %gather3A_423 = tpu.dynamic_gather %mul3A_281[%gather3A_422] in [0] : vector<16xi32>, vector<16xi32> -> vector<16xi32>
      %add3A_424 = arith.addi %gather3A_423, %add3A_11 : vector<16xi32>
      %gather3A_425 = tpu.vector_load_idx %arg5[%add3A_424] : memref<4096xi32, #tpu.memory_space<vmem>>[vector<16xi32>], vector<16xi32>,
      %bitcast3A_426 = vector.bitcast %gather3A_425 : vector<16xi32> to vector<32xbf16>
      %add3A_427 = arith.addf %add3A_417, %bitcast3A_426 : vector<32xbf16>
      %add3A_428 = arith.addi %gather3A_423, %add3A_14 : vector<16xi32>
      %gather3A_429 = tpu.vector_load_idx %arg5[%add3A_428] : memref<4096xi32, #tpu.memory_space<vmem>>[vector<16xi32>], vector<16xi32>,
      %bitcast3A_430 = vector.bitcast %gather3A_429 : vector<16xi32> to vector<32xbf16>
      %add3A_431 = arith.addf %add3A_421, %bitcast3A_430 : vector<32xbf16>
      %gather3A_432 = vector.shape_cast %broadcast_in_dim3A_46 : vector<16x1xi32> to vector<16xi32>
      %gather3A_433 = tpu.dynamic_gather %mul3A_281[%gather3A_432] in [0] : vector<16xi32>, vector<16xi32> -> vector<16xi32>
      %add3A_434 = arith.addi %gather3A_433, %add3A_11 : vector<16xi32>
      %gather3A_435 = tpu.vector_load_idx %arg5[%add3A_434] : memref<4096xi32, #tpu.memory_space<vmem>>[vector<16xi32>], vector<16xi32>,
      %bitcast3A_436 = vector.bitcast %gather3A_435 : vector<16xi32> to vector<32xbf16>
      %add3A_437 = arith.addf %add3A_427, %bitcast3A_436 : vector<32xbf16>
      %add3A_438 = arith.addi %gather3A_433, %add3A_14 : vector<16xi32>
      %gather3A_439 = tpu.vector_load_idx %arg5[%add3A_438] : memref<4096xi32, #tpu.memory_space<vmem>>[vector<16xi32>], vector<16xi32>,
      %bitcast3A_440 = vector.bitcast %gather3A_439 : vector<16xi32> to vector<32xbf16>
      %add3A_441 = arith.addf %add3A_431, %bitcast3A_440 : vector<32xbf16>
      %mul3A_442 = arith.constant 32 : i32
      %mul3A_443 = vector.broadcast %mul3A_442 : i32 to vector<16xi32>
      %mul3A_444 = arith.muli %get3A_89, %mul3A_443 : vector<16xi32>
      %gather3A_445 = vector.shape_cast %broadcast_in_dim3A_16 : vector<16x1xi32> to vector<16xi32>
      %gather3A_446 = tpu.dynamic_gather %mul3A_444[%gather3A_445] in [0] : vector<16xi32>, vector<16xi32> -> vector<16xi32>
      %add3A_447 = arith.addi %gather3A_446, %add3A_11 : vector<16xi32>
      %gather3A_448 = tpu.vector_load_idx %arg5[%add3A_447] : memref<4096xi32, #tpu.memory_space<vmem>>[vector<16xi32>], vector<16xi32>,
      %bitcast3A_449 = vector.bitcast %gather3A_448 : vector<16xi32> to vector<32xbf16>
      %add3A_450 = arith.addf %bitcast3A, %bitcast3A_449 : vector<32xbf16>
      %add3A_451 = arith.addi %gather3A_446, %add3A_14 : vector<16xi32>
      %gather3A_452 = tpu.vector_load_idx %arg5[%add3A_451] : memref<4096xi32, #tpu.memory_space<vmem>>[vector<16xi32>], vector<16xi32>,
      %bitcast3A_453 = vector.bitcast %gather3A_452 : vector<16xi32> to vector<32xbf16>
      %add3A_454 = arith.addf %bitcast3A, %bitcast3A_453 : vector<32xbf16>
      %gather3A_455 = vector.shape_cast %broadcast_in_dim3A_18 : vector<16x1xi32> to vector<16xi32>
      %gather3A_456 = tpu.dynamic_gather %mul3A_444[%gather3A_455] in [0] : vector<16xi32>, vector<16xi32> -> vector<16xi32>
      %add3A_457 = arith.addi %gather3A_456, %add3A_11 : vector<16xi32>
      %gather3A_458 = tpu.vector_load_idx %arg5[%add3A_457] : memref<4096xi32, #tpu.memory_space<vmem>>[vector<16xi32>], vector<16xi32>,
      %bitcast3A_459 = vector.bitcast %gather3A_458 : vector<16xi32> to vector<32xbf16>
      %add3A_460 = arith.addf %add3A_450, %bitcast3A_459 : vector<32xbf16>
      %add3A_461 = arith.addi %gather3A_456, %add3A_14 : vector<16xi32>
      %gather3A_462 = tpu.vector_load_idx %arg5[%add3A_461] : memref<4096xi32, #tpu.memory_space<vmem>>[vector<16xi32>], vector<16xi32>,
      %bitcast3A_463 = vector.bitcast %gather3A_462 : vector<16xi32> to vector<32xbf16>
      %add3A_464 = arith.addf %add3A_454, %bitcast3A_463 : vector<32xbf16>
      %gather3A_465 = vector.shape_cast %broadcast_in_dim3A_20 : vector<16x1xi32> to vector<16xi32>
      %gather3A_466 = tpu.dynamic_gather %mul3A_444[%gather3A_465] in [0] : vector<16xi32>, vector<16xi32> -> vector<16xi32>
      %add3A_467 = arith.addi %gather3A_466, %add3A_11 : vector<16xi32>
      %gather3A_468 = tpu.vector_load_idx %arg5[%add3A_467] : memref<4096xi32, #tpu.memory_space<vmem>>[vector<16xi32>], vector<16xi32>,
      %bitcast3A_469 = vector.bitcast %gather3A_468 : vector<16xi32> to vector<32xbf16>
      %add3A_470 = arith.addf %add3A_460, %bitcast3A_469 : vector<32xbf16>
      %add3A_471 = arith.addi %gather3A_466, %add3A_14 : vector<16xi32>
      %gather3A_472 = tpu.vector_load_idx %arg5[%add3A_471] : memref<4096xi32, #tpu.memory_space<vmem>>[vector<16xi32>], vector<16xi32>,
      %bitcast3A_473 = vector.bitcast %gather3A_472 : vector<16xi32> to vector<32xbf16>
      %add3A_474 = arith.addf %add3A_464, %bitcast3A_473 : vector<32xbf16>
      %gather3A_475 = vector.shape_cast %broadcast_in_dim3A_22 : vector<16x1xi32> to vector<16xi32>
      %gather3A_476 = tpu.dynamic_gather %mul3A_444[%gather3A_475] in [0] : vector<16xi32>, vector<16xi32> -> vector<16xi32>
      %add3A_477 = arith.addi %gather3A_476, %add3A_11 : vector<16xi32>
      %gather3A_478 = tpu.vector_load_idx %arg5[%add3A_477] : memref<4096xi32, #tpu.memory_space<vmem>>[vector<16xi32>], vector<16xi32>,
      %bitcast3A_479 = vector.bitcast %gather3A_478 : vector<16xi32> to vector<32xbf16>
      %add3A_480 = arith.addf %add3A_470, %bitcast3A_479 : vector<32xbf16>
      %add3A_481 = arith.addi %gather3A_476, %add3A_14 : vector<16xi32>
      %gather3A_482 = tpu.vector_load_idx %arg5[%add3A_481] : memref<4096xi32, #tpu.memory_space<vmem>>[vector<16xi32>], vector<16xi32>,
      %bitcast3A_483 = vector.bitcast %gather3A_482 : vector<16xi32> to vector<32xbf16>
      %add3A_484 = arith.addf %add3A_474, %bitcast3A_483 : vector<32xbf16>
      %gather3A_485 = vector.shape_cast %broadcast_in_dim3A_24 : vector<16x1xi32> to vector<16xi32>
      %gather3A_486 = tpu.dynamic_gather %mul3A_444[%gather3A_485] in [0] : vector<16xi32>, vector<16xi32> -> vector<16xi32>
      %add3A_487 = arith.addi %gather3A_486, %add3A_11 : vector<16xi32>
      %gather3A_488 = tpu.vector_load_idx %arg5[%add3A_487] : memref<4096xi32, #tpu.memory_space<vmem>>[vector<16xi32>], vector<16xi32>,
      %bitcast3A_489 = vector.bitcast %gather3A_488 : vector<16xi32> to vector<32xbf16>
      %add3A_490 = arith.addf %add3A_480, %bitcast3A_489 : vector<32xbf16>
      %add3A_491 = arith.addi %gather3A_486, %add3A_14 : vector<16xi32>
      %gather3A_492 = tpu.vector_load_idx %arg5[%add3A_491] : memref<4096xi32, #tpu.memory_space<vmem>>[vector<16xi32>], vector<16xi32>,
      %bitcast3A_493 = vector.bitcast %gather3A_492 : vector<16xi32> to vector<32xbf16>
      %add3A_494 = arith.addf %add3A_484, %bitcast3A_493 : vector<32xbf16>
      %gather3A_495 = vector.shape_cast %broadcast_in_dim3A_26 : vector<16x1xi32> to vector<16xi32>
      %gather3A_496 = tpu.dynamic_gather %mul3A_444[%gather3A_495] in [0] : vector<16xi32>, vector<16xi32> -> vector<16xi32>
      %add3A_497 = arith.addi %gather3A_496, %add3A_11 : vector<16xi32>
      %gather3A_498 = tpu.vector_load_idx %arg5[%add3A_497] : memref<4096xi32, #tpu.memory_space<vmem>>[vector<16xi32>], vector<16xi32>,
      %bitcast3A_499 = vector.bitcast %gather3A_498 : vector<16xi32> to vector<32xbf16>
      %add3A_500 = arith.addf %add3A_490, %bitcast3A_499 : vector<32xbf16>
      %add3A_501 = arith.addi %gather3A_496, %add3A_14 : vector<16xi32>
      %gather3A_502 = tpu.vector_load_idx %arg5[%add3A_501] : memref<4096xi32, #tpu.memory_space<vmem>>[vector<16xi32>], vector<16xi32>,
      %bitcast3A_503 = vector.bitcast %gather3A_502 : vector<16xi32> to vector<32xbf16>
      %add3A_504 = arith.addf %add3A_494, %bitcast3A_503 : vector<32xbf16>
      %gather3A_505 = vector.shape_cast %broadcast_in_dim3A_28 : vector<16x1xi32> to vector<16xi32>
      %gather3A_506 = tpu.dynamic_gather %mul3A_444[%gather3A_505] in [0] : vector<16xi32>, vector<16xi32> -> vector<16xi32>
      %add3A_507 = arith.addi %gather3A_506, %add3A_11 : vector<16xi32>
      %gather3A_508 = tpu.vector_load_idx %arg5[%add3A_507] : memref<4096xi32, #tpu.memory_space<vmem>>[vector<16xi32>], vector<16xi32>,
      %bitcast3A_509 = vector.bitcast %gather3A_508 : vector<16xi32> to vector<32xbf16>
      %add3A_510 = arith.addf %add3A_500, %bitcast3A_509 : vector<32xbf16>
      %add3A_511 = arith.addi %gather3A_506, %add3A_14 : vector<16xi32>
      %gather3A_512 = tpu.vector_load_idx %arg5[%add3A_511] : memref<4096xi32, #tpu.memory_space<vmem>>[vector<16xi32>], vector<16xi32>,
      %bitcast3A_513 = vector.bitcast %gather3A_512 : vector<16xi32> to vector<32xbf16>
      %add3A_514 = arith.addf %add3A_504, %bitcast3A_513 : vector<32xbf16>
      %gather3A_515 = vector.shape_cast %broadcast_in_dim3A_30 : vector<16x1xi32> to vector<16xi32>
      %gather3A_516 = tpu.dynamic_gather %mul3A_444[%gather3A_515] in [0] : vector<16xi32>, vector<16xi32> -> vector<16xi32>
      %add3A_517 = arith.addi %gather3A_516, %add3A_11 : vector<16xi32>
      %gather3A_518 = tpu.vector_load_idx %arg5[%add3A_517] : memref<4096xi32, #tpu.memory_space<vmem>>[vector<16xi32>], vector<16xi32>,
      %bitcast3A_519 = vector.bitcast %gather3A_518 : vector<16xi32> to vector<32xbf16>
      %add3A_520 = arith.addf %add3A_510, %bitcast3A_519 : vector<32xbf16>
      %add3A_521 = arith.addi %gather3A_516, %add3A_14 : vector<16xi32>
      %gather3A_522 = tpu.vector_load_idx %arg5[%add3A_521] : memref<4096xi32, #tpu.memory_space<vmem>>[vector<16xi32>], vector<16xi32>,
      %bitcast3A_523 = vector.bitcast %gather3A_522 : vector<16xi32> to vector<32xbf16>
      %add3A_524 = arith.addf %add3A_514, %bitcast3A_523 : vector<32xbf16>
      %gather3A_525 = vector.shape_cast %broadcast_in_dim3A_32 : vector<16x1xi32> to vector<16xi32>
      %gather3A_526 = tpu.dynamic_gather %mul3A_444[%gather3A_525] in [0] : vector<16xi32>, vector<16xi32> -> vector<16xi32>
      %add3A_527 = arith.addi %gather3A_526, %add3A_11 : vector<16xi32>
      %gather3A_528 = tpu.vector_load_idx %arg5[%add3A_527] : memref<4096xi32, #tpu.memory_space<vmem>>[vector<16xi32>], vector<16xi32>,
      %bitcast3A_529 = vector.bitcast %gather3A_528 : vector<16xi32> to vector<32xbf16>
      %add3A_530 = arith.addf %add3A_520, %bitcast3A_529 : vector<32xbf16>
      %add3A_531 = arith.addi %gather3A_526, %add3A_14 : vector<16xi32>
      %gather3A_532 = tpu.vector_load_idx %arg5[%add3A_531] : memref<4096xi32, #tpu.memory_space<vmem>>[vector<16xi32>], vector<16xi32>,
      %bitcast3A_533 = vector.bitcast %gather3A_532 : vector<16xi32> to vector<32xbf16>
      %add3A_534 = arith.addf %add3A_524, %bitcast3A_533 : vector<32xbf16>
      %gather3A_535 = vector.shape_cast %broadcast_in_dim3A_34 : vector<16x1xi32> to vector<16xi32>
      %gather3A_536 = tpu.dynamic_gather %mul3A_444[%gather3A_535] in [0] : vector<16xi32>, vector<16xi32> -> vector<16xi32>
      %add3A_537 = arith.addi %gather3A_536, %add3A_11 : vector<16xi32>
      %gather3A_538 = tpu.vector_load_idx %arg5[%add3A_537] : memref<4096xi32, #tpu.memory_space<vmem>>[vector<16xi32>], vector<16xi32>,
      %bitcast3A_539 = vector.bitcast %gather3A_538 : vector<16xi32> to vector<32xbf16>
      %add3A_540 = arith.addf %add3A_530, %bitcast3A_539 : vector<32xbf16>
      %add3A_541 = arith.addi %gather3A_536, %add3A_14 : vector<16xi32>
      %gather3A_542 = tpu.vector_load_idx %arg5[%add3A_541] : memref<4096xi32, #tpu.memory_space<vmem>>[vector<16xi32>], vector<16xi32>,
      %bitcast3A_543 = vector.bitcast %gather3A_542 : vector<16xi32> to vector<32xbf16>
      %add3A_544 = arith.addf %add3A_534, %bitcast3A_543 : vector<32xbf16>
      %gather3A_545 = vector.shape_cast %broadcast_in_dim3A_36 : vector<16x1xi32> to vector<16xi32>
      %gather3A_546 = tpu.dynamic_gather %mul3A_444[%gather3A_545] in [0] : vector<16xi32>, vector<16xi32> -> vector<16xi32>
      %add3A_547 = arith.addi %gather3A_546, %add3A_11 : vector<16xi32>
      %gather3A_548 = tpu.vector_load_idx %arg5[%add3A_547] : memref<4096xi32, #tpu.memory_space<vmem>>[vector<16xi32>], vector<16xi32>,
      %bitcast3A_549 = vector.bitcast %gather3A_548 : vector<16xi32> to vector<32xbf16>
      %add3A_550 = arith.addf %add3A_540, %bitcast3A_549 : vector<32xbf16>
      %add3A_551 = arith.addi %gather3A_546, %add3A_14 : vector<16xi32>
      %gather3A_552 = tpu.vector_load_idx %arg5[%add3A_551] : memref<4096xi32, #tpu.memory_space<vmem>>[vector<16xi32>], vector<16xi32>,
      %bitcast3A_553 = vector.bitcast %gather3A_552 : vector<16xi32> to vector<32xbf16>
      %add3A_554 = arith.addf %add3A_544, %bitcast3A_553 : vector<32xbf16>
      %gather3A_555 = vector.shape_cast %broadcast_in_dim3A_38 : vector<16x1xi32> to vector<16xi32>
      %gather3A_556 = tpu.dynamic_gather %mul3A_444[%gather3A_555] in [0] : vector<16xi32>, vector<16xi32> -> vector<16xi32>
      %add3A_557 = arith.addi %gather3A_556, %add3A_11 : vector<16xi32>
      %gather3A_558 = tpu.vector_load_idx %arg5[%add3A_557] : memref<4096xi32, #tpu.memory_space<vmem>>[vector<16xi32>], vector<16xi32>,
      %bitcast3A_559 = vector.bitcast %gather3A_558 : vector<16xi32> to vector<32xbf16>
      %add3A_560 = arith.addf %add3A_550, %bitcast3A_559 : vector<32xbf16>
      %add3A_561 = arith.addi %gather3A_556, %add3A_14 : vector<16xi32>
      %gather3A_562 = tpu.vector_load_idx %arg5[%add3A_561] : memref<4096xi32, #tpu.memory_space<vmem>>[vector<16xi32>], vector<16xi32>,
      %bitcast3A_563 = vector.bitcast %gather3A_562 : vector<16xi32> to vector<32xbf16>
      %add3A_564 = arith.addf %add3A_554, %bitcast3A_563 : vector<32xbf16>
      %gather3A_565 = vector.shape_cast %broadcast_in_dim3A_40 : vector<16x1xi32> to vector<16xi32>
      %gather3A_566 = tpu.dynamic_gather %mul3A_444[%gather3A_565] in [0] : vector<16xi32>, vector<16xi32> -> vector<16xi32>
      %add3A_567 = arith.addi %gather3A_566, %add3A_11 : vector<16xi32>
      %gather3A_568 = tpu.vector_load_idx %arg5[%add3A_567] : memref<4096xi32, #tpu.memory_space<vmem>>[vector<16xi32>], vector<16xi32>,
      %bitcast3A_569 = vector.bitcast %gather3A_568 : vector<16xi32> to vector<32xbf16>
      %add3A_570 = arith.addf %add3A_560, %bitcast3A_569 : vector<32xbf16>
      %add3A_571 = arith.addi %gather3A_566, %add3A_14 : vector<16xi32>
      %gather3A_572 = tpu.vector_load_idx %arg5[%add3A_571] : memref<4096xi32, #tpu.memory_space<vmem>>[vector<16xi32>], vector<16xi32>,
      %bitcast3A_573 = vector.bitcast %gather3A_572 : vector<16xi32> to vector<32xbf16>
      %add3A_574 = arith.addf %add3A_564, %bitcast3A_573 : vector<32xbf16>
      %gather3A_575 = vector.shape_cast %broadcast_in_dim3A_42 : vector<16x1xi32> to vector<16xi32>
      %gather3A_576 = tpu.dynamic_gather %mul3A_444[%gather3A_575] in [0] : vector<16xi32>, vector<16xi32> -> vector<16xi32>
      %add3A_577 = arith.addi %gather3A_576, %add3A_11 : vector<16xi32>
      %gather3A_578 = tpu.vector_load_idx %arg5[%add3A_577] : memref<4096xi32, #tpu.memory_space<vmem>>[vector<16xi32>], vector<16xi32>,
      %bitcast3A_579 = vector.bitcast %gather3A_578 : vector<16xi32> to vector<32xbf16>
      %add3A_580 = arith.addf %add3A_570, %bitcast3A_579 : vector<32xbf16>
      %add3A_581 = arith.addi %gather3A_576, %add3A_14 : vector<16xi32>
      %gather3A_582 = tpu.vector_load_idx %arg5[%add3A_581] : memref<4096xi32, #tpu.memory_space<vmem>>[vector<16xi32>], vector<16xi32>,
      %bitcast3A_583 = vector.bitcast %gather3A_582 : vector<16xi32> to vector<32xbf16>
      %add3A_584 = arith.addf %add3A_574, %bitcast3A_583 : vector<32xbf16>
      %gather3A_585 = vector.shape_cast %broadcast_in_dim3A_44 : vector<16x1xi32> to vector<16xi32>
      %gather3A_586 = tpu.dynamic_gather %mul3A_444[%gather3A_585] in [0] : vector<16xi32>, vector<16xi32> -> vector<16xi32>
      %add3A_587 = arith.addi %gather3A_586, %add3A_11 : vector<16xi32>
      %gather3A_588 = tpu.vector_load_idx %arg5[%add3A_587] : memref<4096xi32, #tpu.memory_space<vmem>>[vector<16xi32>], vector<16xi32>,
      %bitcast3A_589 = vector.bitcast %gather3A_588 : vector<16xi32> to vector<32xbf16>
      %add3A_590 = arith.addf %add3A_580, %bitcast3A_589 : vector<32xbf16>
      %add3A_591 = arith.addi %gather3A_586, %add3A_14 : vector<16xi32>
      %gather3A_592 = tpu.vector_load_idx %arg5[%add3A_591] : memref<4096xi32, #tpu.memory_space<vmem>>[vector<16xi32>], vector<16xi32>,
      %bitcast3A_593 = vector.bitcast %gather3A_592 : vector<16xi32> to vector<32xbf16>
      %add3A_594 = arith.addf %add3A_584, %bitcast3A_593 : vector<32xbf16>
      %gather3A_595 = vector.shape_cast %broadcast_in_dim3A_46 : vector<16x1xi32> to vector<16xi32>
      %gather3A_596 = tpu.dynamic_gather %mul3A_444[%gather3A_595] in [0] : vector<16xi32>, vector<16xi32> -> vector<16xi32>
      %add3A_597 = arith.addi %gather3A_596, %add3A_11 : vector<16xi32>
      %gather3A_598 = tpu.vector_load_idx %arg5[%add3A_597] : memref<4096xi32, #tpu.memory_space<vmem>>[vector<16xi32>], vector<16xi32>,
      %bitcast3A_599 = vector.bitcast %gather3A_598 : vector<16xi32> to vector<32xbf16>
      %add3A_600 = arith.addf %add3A_590, %bitcast3A_599 : vector<32xbf16>
      %add3A_601 = arith.addi %gather3A_596, %add3A_14 : vector<16xi32>
      %gather3A_602 = tpu.vector_load_idx %arg5[%add3A_601] : memref<4096xi32, #tpu.memory_space<vmem>>[vector<16xi32>], vector<16xi32>,
      %bitcast3A_603 = vector.bitcast %gather3A_602 : vector<16xi32> to vector<32xbf16>
      %add3A_604 = arith.addf %add3A_594, %bitcast3A_603 : vector<32xbf16>
      %add3A_605 = arith.addf %add3A_274, %add3A_437 : vector<32xbf16>
      %add3A_606 = arith.addf %add3A_605, %add3A_600 : vector<32xbf16>
      %bitcast3A_607 = vector.bitcast %add3A_606 : vector<32xbf16> to vector<16xi32>
      %shift_left3A = arith.constant 16 : i32
      %shift_left3A_608 = vector.broadcast %shift_left3A : i32 to vector<16xi32>
      %shift_left3A_609 = arith.shli %bitcast3A_607, %shift_left3A_608 : vector<16xi32>
      %bitcast3A_610 = vector.bitcast %shift_left3A_609 : vector<16xi32> to vector<16xf32>
      %and3A = arith.andi %bitcast3A_607, %broadcast_in_dim3A_64 : vector<16xi32>
      %bitcast3A_611 = vector.bitcast %and3A : vector<16xi32> to vector<16xf32>
      %mul3A_612 = arith.mulf %bitcast3A_610, %div3A_115 : vector<16xf32>
      %mul3A_613 = arith.constant 64 : i32
      %mul3A_614 = arith.muli %scan3A_72, %mul3A_613 : i32
      %add3A_615 = arith.constant 0 : i32
      %add3A_616 = arith.addi %mul3A_614, %add3A_615 : i32
      %swap3A_617 = arith.index_cast %add3A_616 : i32 to index
      %swap3A_618 = tpu.vector_load %arg7[%swap3A_617] {strides = array<i32>} : memref<32768xf32, #tpu.memory_space<vmem>>, vector<16xf32>,
      tpu.vector_store %arg7[%swap3A_617], %mul3A_612 {strides = array<i32>} : memref<32768xf32, #tpu.memory_space<vmem>>, vector<16xf32>,
      %mul3A_619 = arith.mulf %bitcast3A_611, %div3A_115 : vector<16xf32>
      %mul3A_620 = arith.constant 64 : i32
      %mul3A_621 = arith.muli %scan3A_72, %mul3A_620 : i32
      %add3A_622 = arith.constant 0 : i32
      %add3A_623 = arith.addi %mul3A_621, %add3A_622 : i32
      %add3A_624 = arith.constant 16 : i32
      %add3A_625 = arith.addi %add3A_623, %add3A_624 : i32
      %swap3A_626 = arith.index_cast %add3A_625 : i32 to index
      %swap3A_627 = tpu.vector_load %arg7[%swap3A_626] {strides = array<i32>} : memref<32768xf32, #tpu.memory_space<vmem>>, vector<16xf32>,
      tpu.vector_store %arg7[%swap3A_626], %mul3A_619 {strides = array<i32>} : memref<32768xf32, #tpu.memory_space<vmem>>, vector<16xf32>,
      %add3A_628 = arith.addf %add3A_278, %add3A_441 : vector<32xbf16>
      %add3A_629 = arith.addf %add3A_628, %add3A_604 : vector<32xbf16>
      %bitcast3A_630 = vector.bitcast %add3A_629 : vector<32xbf16> to vector<16xi32>
      %shift_left3A_631 = arith.constant 16 : i32
      %shift_left3A_632 = vector.broadcast %shift_left3A_631 : i32 to vector<16xi32>
      %shift_left3A_633 = arith.shli %bitcast3A_630, %shift_left3A_632 : vector<16xi32>
      %bitcast3A_634 = vector.bitcast %shift_left3A_633 : vector<16xi32> to vector<16xf32>
      %and3A_635 = arith.andi %bitcast3A_630, %broadcast_in_dim3A_64 : vector<16xi32>
      %bitcast3A_636 = vector.bitcast %and3A_635 : vector<16xi32> to vector<16xf32>
      %mul3A_637 = arith.mulf %bitcast3A_634, %div3A_115 : vector<16xf32>
      %mul3A_638 = arith.constant 64 : i32
      %mul3A_639 = arith.muli %scan3A_72, %mul3A_638 : i32
      %add3A_640 = arith.constant 32 : i32
      %add3A_641 = arith.addi %mul3A_639, %add3A_640 : i32
      %swap3A_642 = arith.index_cast %add3A_641 : i32 to index
      %swap3A_643 = tpu.vector_load %arg7[%swap3A_642] {strides = array<i32>} : memref<32768xf32, #tpu.memory_space<vmem>>, vector<16xf32>,
      tpu.vector_store %arg7[%swap3A_642], %mul3A_637 {strides = array<i32>} : memref<32768xf32, #tpu.memory_space<vmem>>, vector<16xf32>,
      %mul3A_644 = arith.mulf %bitcast3A_636, %div3A_115 : vector<16xf32>
      %mul3A_645 = arith.constant 64 : i32
      %mul3A_646 = arith.muli %scan3A_72, %mul3A_645 : i32
      %add3A_647 = arith.constant 32 : i32
      %add3A_648 = arith.addi %mul3A_646, %add3A_647 : i32
      %add3A_649 = arith.constant 16 : i32
      %add3A_650 = arith.addi %add3A_648, %add3A_649 : i32
      %swap3A_651 = arith.index_cast %add3A_650 : i32 to index
      %swap3A_652 = tpu.vector_load %arg7[%swap3A_651] {strides = array<i32>} : memref<32768xf32, #tpu.memory_space<vmem>>, vector<16xf32>,
      tpu.vector_store %arg7[%swap3A_651], %mul3A_644 {strides = array<i32>} : memref<32768xf32, #tpu.memory_space<vmem>>, vector<16xf32>,
    }
    %scan3A_69 = arith.constant 512 : i32
    %mul3A_70 = arith.constant 64 : i32
    %mul3A_71 = arith.muli %mul3A_2, %mul3A_70 : i32
    "tpu.region"() ({
      %run_scoped3A = tpu.sem_alloc : memref<!tpu.dma_semaphore, #tpu.memory_space<semaphore_mem>>
      %dma_start3A = tpu.memref_slice %arg4[%mul3A_71] : memref<1048576xf32, #tpu.memory_space<hbm>> -> memref<32768xf32, #tpu.memory_space<hbm>>
      %dma_start3A_72 = tpu.memref_slice %arg4[%mul3A_71] : memref<1048576xf32, #tpu.memory_space<hbm>> -> memref<32768xf32, #tpu.memory_space<hbm>>
      tpu.enqueue_dma source(%arg7 : memref<32768xf32, #tpu.memory_space<vmem>>) target(%dma_start3A_72 : memref<32768xf32, #tpu.memory_space<hbm>>) target_semaphore(%run_scoped3A : memref<!tpu.dma_semaphore, #tpu.memory_space<semaphore_mem>>)
      %dma_wait3A = tpu.memref_slice %arg4[%mul3A_71] : memref<1048576xf32, #tpu.memory_space<hbm>> -> memref<32768xf32, #tpu.memory_space<hbm>>
      %dma_wait3A_73 = tpu.memref_slice %arg4[%mul3A_71] : memref<1048576xf32, #tpu.memory_space<hbm>> -> memref<32768xf32, #tpu.memory_space<hbm>>
      tpu.wait_dma2 semaphore(%run_scoped3A : memref<!tpu.dma_semaphore, #tpu.memory_space<semaphore_mem>>) src(%arg7 : memref<32768xf32, #tpu.memory_space<vmem>>) dst(%dma_wait3A_73 : memref<32768xf32, #tpu.memory_space<hbm>>)
      tpu.yield
    }) : () -> ()
    return
  }
}

</mosaic_0001>

<sc_bundles>
// kernel: kernel.3.cloned.1.call-start
scs
__scs_entry_jumppad:
0x0: {  	(pc) =	sbr.rel $0x88, $3  }
0x1: {  	(tag) =	ssettag $0x0;
	lr =	simm.s32 $0x1  }
0x2: {  	[smem:$0x3F9F] =	sst lr;
	_ =	strace $0xD0000000  }
0x3: {  	_ = 	snop  }
0x4: {  	_ = 	snop  }
0x5: {  	_ = 	snop  }
0x6: {  	_ = 	snop  }
0x7: {  	_ = 	snop  }
__scs_overlays_trampoline_lowered:
0x8: {  	[smem:$0x3FAE] =	sst s0  }
0x9: {  	[smem:$0x3FAF] =	sst s1  }
0xa: {  	[smem:$0x3FB0] =	sst s2  }
0xb: {  	[smem:$0x3FB1] =	sst s3  }
0xc: {  	[smem:$0x3FB2] =	sst s4  }
0xd: {  	[smem:$0x3FB3] =	sst s5  }
0xe: {  	[smem:$0x3FB4] =	sst s6  }
0xf: {  	[smem:$0x3FB5] =	sst s7  }
0x10: {  	[smem:$0x3FB6] =	sst s8  }
0x11: {  	[smem:$0x3FB7] =	sst s9;
	s0 =	simm.s32 @!p0 $0x0  }
0x12: {  	s1 =	sld [smem:$0x3F9D];
	s0 =	simm.s32 @p0 $0x1  }
0x13: {  	[smem:$0x3FB8] =	sst s0;
	s0 =	simm.s32 @!p1 $0x0  }
0x14: {  	s2 =	sld [smem:$0x3F9C];
	s0 =	simm.s32 @p1 $0x1  }
0x15: {  	[smem:$0x3FB9] =	sst s0;
	s0 =	simm.s32 @!p2 $0x0  }
0x16: {  	s3 =	sld [smem:$0x3FDB];
	s0 =	simm.s32 @p2 $0x1  }
0x17: {  	s4 =	simm.s32 $0x1BF5;
	[smem:$0x3FBB] =	sst s0  }
0x18: {  	s0 =	sld [smem:$0x3F9E];
	_ =	swait.ge [sflag:s4], $0x0  }
0x19: {  	s7 =	sld [smem:$0x3F9F]  }
0x1a: {  	s8 =	sadd.s32 $0xFFFFE003, lr  }
0x1b: {  	s9 =	sadd.s32 $0xFFFFFEF7, lr;
	s5 =	simm.s32 $0xFFFFFFFF;
	p2 =	slt.u32 s8, $0xFFFFF086  }
0x1c: {  	p1 =	slt.u32 s9, $0xF7A;
	s5 =	simm.s32 @!p2 $0x0  }
0x1d: {  	s5 =	simm.s32 @p1 $0x1;
	p0 =	seq.s32 s7, s2  }
0x1e: {  	s7 =	smul.u32 @!p0 $0xF7A, s2;
	p2 =	seq.s32 @!p0 s5, $0x0  }
0x1f: {  	s9 =	smul.u32 $0xF7A, s1;
	s8 =	simm.s32 @!p0 $0x1BF5;
	p2 =	por !p2, p0  }
0x20: {  	[sflag:s8] =	ssyncset.s32 @!p0 $0xFFFFF086;
	s6 =	sadd.s32 @!p0 s3, s7;
	s7 =	simm.s32 @!p0 $0x108  }
0x21: {  	s3 =	sadd.s32 s3, s9;
	s6 =	sadd.s32 @!p0 $0x88, s6;
	s7 =	simm.s32 @p2 $0x1082  }
0x22: {  	[simem:s7], [sflag:s8] =	dma.local @!p0 [hbm:s6], $0xF7A  }
0x23: {  	s9 =	sor.u32 $0xD0000000, s2;
	s6 =	simm.s32 $0x108;
	_ =	swait.ge @!p0 [sflag:s8], $0x0  }
0x24: {  	s3 =	sadd.s32 $0x88, s3;
	s6 =	simm.s32 @!p1 $0x1082;
	[sflag:s4] =	ssyncset.s32 $0xFFFFF086  }
0x25: {  	[simem:s6], [sflag:s4] =	dma.local [hbm:s3], $0xF7A  }
0x26: {  	[smem:$0x3F9F] =	sst s1;
	(tag) =	ssettag s2;
	_ =	strace s9  }
0x27: {  	s1 =	sld [smem:$0x3FAF]  }
0x28: {  	s2 =	sld [smem:$0x3FB0]  }
0x29: {  	s4 =	sld [smem:$0x3FB2]  }
0x2a: {  	p0 =	seq.s32 s5, $0x0;
	s5 =	sld [smem:$0x3FB3]  }
0x2b: {  	s6 =	sld [smem:$0x3FB4]  }
0x2c: {  	s7 =	sld [smem:$0x3FB5]  }
0x2d: {  	s3 =	simm.s32 $0x108;
	s8 =	sld [smem:$0x3FB6]  }
0x2e: {  	s3 =	simm.s32 @!p0 $0x1082;
	s9 =	sld [smem:$0x3FB7]  }
0x2f: {  	lr =	sadd.s32 s0, s3;
	s0 =	sld [smem:$0x3FAE]  }
0x30: {  	s3 =	sld [smem:$0x3FB1]  }
0x31: {  	[smem:$0x3FBA] =	sst s10  }
0x32: {  	s10 =	sld [smem:$0x3FB8];
	_ =	sdelay $0x3  }
0x33: {  	p0 =	seq.s32 s10, $0x1;
	s10 =	sld [smem:$0x3FBA];
	_ =	sdelay $0x3  }
0x34: {  	[smem:$0x3FBA] =	sst s10  }
0x35: {  	s10 =	sld [smem:$0x3FB9];
	_ =	sdelay $0x3  }
0x36: {  	p1 =	seq.s32 s10, $0x1;
	s10 =	sld [smem:$0x3FBA];
	_ =	sdelay $0x3  }
0x37: {  	[smem:$0x3FBA] =	sst s10  }
0x38: {  	s10 =	sld [smem:$0x3FBB]  }
0x39: {  	_ = 	snop;
	(pc) =	sbr.ind lr, $3  }
0x3a: {  	_ = 	snop  }
0x3b: {  	_ = 	snop  }
0x3c: {  	p2 =	seq.s32 s10, $0x1;
	s10 =	sld [smem:$0x3FBA]  }
0x3d: {  	_ =	shalt  }
0x3e: {  	_ =	shalt  }
0x3f: {  	_ =	shalt  }
0x40: {  	_ =	shalt  }
0x41: {  	_ =	shalt  }
0x42: {  	_ =	shalt  }
0x43: {  	_ =	shalt  }
0x44: {  	_ =	shalt  }
0x45: {  	_ =	shalt  }
0x46: {  	_ =	shalt  }
0x47: {  	_ =	shalt  }
0x48: {  	_ =	shalt  }
0x49: {  	_ =	shalt  }
0x4a: {  	_ =	shalt  }
0x4b: {  	_ =	shalt  }
0x4c: {  	_ =	shalt  }
0x4d: {  	_ =	shalt  }
0x4e: {  	_ =	shalt  }
0x4f: {  	_ =	shalt  }
0x50: {  	_ =	shalt  }
0x51: {  	_ =	shalt  }
0x52: {  	_ =	shalt  }
0x53: {  	_ =	shalt  }
0x54: {  	_ =	shalt  }
0x55: {  	_ =	shalt  }
0x56: {  	_ =	shalt  }
0x57: {  	_ =	shalt  }
0x58: {  	_ =	shalt  }
0x59: {  	_ =	shalt  }
0x5a: {  	_ =	shalt  }
0x5b: {  	_ =	shalt  }
0x5c: {  	_ =	shalt  }
0x5d: {  	_ =	shalt  }
0x5e: {  	_ =	shalt  }
0x5f: {  	_ =	shalt  }
0x60: {  	_ =	shalt  }
0x61: {  	_ =	shalt  }
0x62: {  	_ =	shalt  }
0x63: {  	_ =	shalt  }
0x64: {  	_ =	shalt  }
0x65: {  	_ =	shalt  }
0x66: {  	_ =	shalt  }
0x67: {  	_ =	shalt  }
0x68: {  	_ =	shalt  }
0x69: {  	_ =	shalt  }
0x6a: {  	_ =	shalt  }
0x6b: {  	_ =	shalt  }
0x6c: {  	_ =	shalt  }
0x6d: {  	_ =	shalt  }
0x6e: {  	_ =	shalt  }
0x6f: {  	_ =	shalt  }
0x70: {  	_ =	shalt  }
0x71: {  	_ =	shalt  }
0x72: {  	_ =	shalt  }
0x73: {  	_ =	shalt  }
0x74: {  	_ =	shalt  }
0x75: {  	_ =	shalt  }
0x76: {  	_ =	shalt  }
0x77: {  	_ =	shalt  }
0x78: {  	_ =	shalt  }
0x79: {  	_ =	shalt  }
0x7a: {  	_ =	shalt  }
0x7b: {  	_ =	shalt  }
0x7c: {  	_ =	shalt  }
0x7d: {  	_ =	shalt  }
0x7e: {  	_ =	shalt  }
0x7f: {  	_ =	shalt  }
0x80: {  	_ =	shalt  }
0x81: {  	_ =	shalt  }
0x82: {  	_ =	shalt  }
0x83: {  	_ =	shalt  }
0x84: {  	_ =	shalt  }
0x85: {  	_ =	shalt  }
0x86: {  	_ =	shalt  }
0x87: {  	_ =	shalt  }
.Lfunc_end0:
.L_simem_size_0:
called_computation_lowered:
.L_overlay_start_0:
0x88: {  	s2 =	sld [smem:$0x3FD9]  }
0x89: {  	s3 =	sld [smem:$0x3FFE];
	_ =	sdelay $0x1  }
0x8a: {  	s1 =	srdreg.scid  }
0x8b: {  	s0 =	sand.u32 $0x1, s1  }
0x8c: {  	s17 =	sshll.u32 s0, $0xA;
	s2 =	sadd.s32 s3, s2  }
0x8d: {  	s2 =	sadd.s32 s2, s17  }
0x8e: {  	[smem:$0x3FC6] =	sst s2  }
0x8f: {  	_ = 	snop  }
0x90: {  	s2 =	sld [smem:$0x3FD0];
	(tm) =	ssettm $0x1  }
0x91: {  	s18 =	sld [smem:$0x3FFB];
	_ =	sdelay $0x3  }
0x92: {  	_ =	strace s18  }
0x93: {  	s3 =	sld [smem:$0x3FFC];
	_ =	sdelay $0x3  }
0x94: {  	_ =	strace s3  }
0x95: {  	s3 =	sld [smem:$0x3FFD];
	_ =	sdelay $0x3  }
0x96: {  	_ =	strace s3  }
0x97: {  	_ =	strace $0x8FFFFFFF  }
0x98: {  	s19 =	sld [smem:$0x3FDB];
	_ =	sdelay $0x1  }
0x99: {  	s4 =	simm.s32 $_scs_section_size  }
0x9a: {  	s5 =	simm.s32 $_size__tile_overlayer_lowered;
	s6 =	simm.s32 $_tile_overlayer_lowered  }
0x9b: {  	s22 =	simm.s32 $0x1BFF;
	s21 =	sshll.u32 s6, $0x1;
	s3 =	sadd.s32 s4, s19  }
0x9c: {  	s7 =	simm.s32 $0x0;
	s20 =	sshll.u32 s5, $0x1;
	s5 =	sadd.s32 s21, s3  }
0x9d: {  	[timem:s7], [sflag:s22] =	dma.local [hbm:s5], s20  }
0x9e: {  	_ =	swait.ge [sflag:s22], s20  }
0x9f: {  	s4 =	ssub.s32 $0x0, s20;
	[sflag:s22] =	ssyncset.done $0x0  }
0xa0: {  	[sflag:s22] =	ssyncadd.s32 s4;
	_ =	sdelay $0x1  }
0xa1: {  	s23 =	simm.s32 $0x1B8B  }
0xa2: {  	_ =	swait.ge [sflag:s23], $0x1  }
0xa3: {  	[sflag:s23] =	ssyncset.done $0x0  }
0xa4: {  	s25 =	simm.s32 $0x1B8E;
	s24 =	sld [smem:$0x3FFE];
	[sflag:s23] =	ssyncadd.s32 $0xFFFFFFFF  }
0xa5: {  	s26 =	simm.s32 $execute0_lowered;
	[smem:$0x3FD2] =	sst s25  }
0xa6: {  	s5 =	sshll.u32 s26, $0x1;
	_ =	strace $0x80000046;
	[dreg:$0x1] =	wrdreg $0xFFFFFFFF  }
0xa7: {  	s28 =	simm.s32 $_size_execute0_lowered;
	s3 =	sadd.s32 s3, s5;
	[dreg:$0x0] =	wrdreg $0x0  }
0xa8: {  	s5 =	sshll.u32 s28, $0x1;
	[dreg:$0x2] =	wrdreg s3  }
0xa9: {  	[dreg:$0x3] =	wrdreg s5  }
0xaa: {  	[dreg:$0x4] =	wrdreg $0xC0  }
0xab: {  	_ =	task [dreg:s7], $0x5FFFF  }
0xac: {  	[dreg:$0x1] =	wrdreg $0xFFFFFFFF  }
0xad: {  	[dreg:$0x0] =	wrdreg $0x60  }
0xae: {  	[dreg:$0x2] =	wrdreg s24  }
0xaf: {  	[dreg:$0x3] =	wrdreg s2  }
0xb0: {  	[dreg:$0x4] =	wrdreg $0x9  }
0xb1: {  	_ =	task.clear_ibuf [dreg:s7], $0x5FFFF;
	_ =	strace $0x90000046  }
0xb2: {  	s29 =	simm.s32 $0x9;
	_ =	strace $0x80000048  }
0xb3: {  	_ =	swait.ge [sflag:s29], $0x1  }
0xb4: {  	[sflag:s29] =	ssyncadd.s32 $0xFFFFFFFF  }
0xb5: {  	_ =	strace $0x90000048  }
0xb6: {  	_ =	sfence  }
0xb7: {  	s30 =	sld [smem:$0x0];
	_ =	sdelay $0x2  }
0xb8: {  	s31 =	sshll.u32 s1, $0xD;
	s1 =	sshrl.u32 s1, $0x2  }
0xb9: {  	s3 =	sand.u32 $0x4000, s31;
	s1 =	sadd.s32 s1, s30  }
0xba: {  	s0 =	sor.u32 s3, s0;
	s1 =	sshll.u32 s1, $0x11  }
0xbb: {  	s0 =	sor.u32 s1, s0  }
0xbc: {  	s0 =	sadd.s32 $0x8F2B, s0  }
0xbd: {  	[sflag:s0] =	ssyncadd.remote.s32 $0x1  }
0xbe: {  	_ =	sfence.sel $0xFFFF  }
0xbf: {  	[dreg:$0x0] =	wrdreg $0xFFFFFFFF;
	(pc) =	sbr.abs _section_cstart, $3  }
0xc0: {  	[dreg:$0x1] =	wrdreg $0xFFFFFFFF  }
0xc1: {  	_ =	task.clear_ibuf [dreg:s7], $0x2FFFF;
	_ =	strace $0x9FFFFFFF  }
0xc2: {  	(tm) =	ssettm $0x7FFFFFFF  }
0xc3: {  	_ =	shalt  }
tec
execute0_lowered:
.L_overlay_start_1:
0x0: {  	(tag) =	ssettag $0x1  }
0x1: {  	v0 =	vimm.s32 $0xFEDCBA98;
	v1 =	vimm.s32 $0x76543210;
	v2 =	vimm.s32 $0xBA98FEDC  }
0x2: {  	v3 =	vimm.s32 $0x32107654;
	v4 =	vimm.s32 $0xDCFE98BA;
	v5 =	vimm.s32 $0x54761032  }
0x3: {  	v6 =	vimm.s32 $0xEFCDAB89;
	v7 =	vimm.s32 $0x67452301;
	v59 =	vimm.s32 $0x1  }
0x4: {  	v56 =	vimm.s32 $0x5;
	v8 =	vimm.bf16 $0.0e+00;
	v60 =	vimm.s32 $0x2  }
0x5: {  	v11 =	vimm.s32 $0x3;
	v12 =	vimm.s32 $0x4;
	v13 =	vimm.s32 $0x6  }
0x6: {  	v14 =	vimm.s32 $0x7;
	v15 =	vimm.s32 $0x8;
	v16 =	vimm.s32 $0x9  }
0x7: {  	v17 =	vimm.s32 $0xA;
	v18 =	vimm.s32 $0xB;
	v19 =	vimm.s32 $0xC  }
0x8: {  	s3 =	rddreg [dreg:$0x0];
	s1 =	srdreg.scid;
	v20 =	vimm.s32 $0xD;
	v21 =	vimm.s32 $0xE;
	v0 =	vunpack.c.l.s4.s8 v0  }
0x9: {  	s0 =	stileid.u32;
	s5 =	rddreg [dreg:$0x1];
	v1 =	vunpack.c.l.s4.s8 v1;
	v2 =	vunpack.c.l.s4.s8 v2;
	v3 =	vunpack.c.l.s4.s8 v3  }
0xa: {  	s2 =	simm.s32 $0x0;
	v4 =	vunpack.c.l.s4.s8 v4;
	v5 =	vunpack.c.l.s4.s8 v5;
	s4 =	sand.u32 $0x1, s1;
	s6 =	sshll.u32 s0, $0x1;
	v0 =	vunpack.c.0.s8.s32 v0  }
0xb: {  	s9 =	simm.s32 $0x7000;
	s10 =	simm.s32 $0x0;
	v6 =	vunpack.c.l.s4.s8 v6;
	v7 =	vunpack.c.l.s4.s8 v7;
	s6 =	sor.u32 s4, s6;
	v1 =	vunpack.c.0.s8.s32 v1  }
0xc: {  	s1 =	rddreg [dreg:$0x2];
	s4 =	ssub.s32 $0x2, s4;
	v2 =	vunpack.c.0.s8.s32 v2;
	v3 =	vunpack.c.0.s8.s32 v3;
	s7 =	smul.u32 $0xC00, s6;
	v0 =	vand.u32 $0xF, v0  }
0xd: {  	[smem:$0x7FF] =	sst s2;
	v6 =	vunpack.c.0.s8.s32 v6;
	v7 =	vunpack.c.0.s8.s32 v7;
	s8 =	sshrl.u32 s4, $0x1;
	s6 =	sshll.u32 s6, $0xC;
	v0 =	vcombine.low v0, v1  }
0xe: {  	v22 =	vimm.s32 $0xF;
	v4 =	vunpack.c.0.s8.s32 v4;
	v5 =	vunpack.c.0.s8.s32 v5;
	s8 =	ssub.s32 s4, s8;
	s5 =	sadd.s32 s5, s6;
	s7 =	sadd.s32 s7, s3  }
0xf: {  	v3 =	vcombine.low v3, v2;
	v10 =	vcombine.low v7, v6;
	v7 =	vlaneseq.u32;
	s3 =	sadd.s32 $0x400, s3;
	s6 =	smax.u32 s8, $0x1;
	s8 =	simm.s32 $0x1000;
	[tilespmem:$0x1FFF0] =	vst v0  }
0x10: {  	v2 =	vimm.s32 $0x0;
	v4 =	vcombine.low v5, v4;
	v9 =	vor.u32 $0x10, v7;
	s4 =	sadd.s32 $0x600, s7;
	s7 =	simm.s32 $0x1;
	_ =	strace $0x80000047  }
.LBB2_1:
0x11: {  	[tilespmem:s2], [sflag:$0x1] =	stream.linear.gather [hbm4b:s3+s2], $0x1000, $0x38;
	[tilespmem:$0xF000] =	vst v63  }
0x12: {  	_ =	swait.ge [sflag:s7], $0x1000  }
0x13: {  	[sflag:s7] =	ssyncset.done $0x0  }
0x14: {  	[sflag:s7] =	ssyncadd.s32 $0xFFFFF000  }
0x15: {  	[tilespmem:s8], [sflag:$0x1] =	stream.linear.gather [hbm4b:s4+s2], $0x6000, $0x38;
	[tilespmem:$0xF000] =	vst v63  }
0x16: {  	_ =	swait.ge [sflag:s7], $0x6000  }
0x17: {  	[sflag:s7] =	ssyncset.done $0x0  }
0x18: {  	[sflag:s7] =	ssyncadd.s32 $0xFFFFA000  }
0x19: {  	[tilespmem:$0x0] =	vst v2  }
0x1a: {  	s11 =	simm.s32 $0x80;
	s12 =	simm.s32 $0x7020;
	[tilespmem:$0x10] =	vst v2  }
.LBB2_2:
0x1b: {  	s13 =	sshra.s32 s11, $0x2  }
0x1c: {  	v24 =	vld [tilespmem:s13+$0xFE0];
	_ =	sdelay $0x4  }
0x1d: {  	v25 =	vshll.u32 v24, $0x5  }
0x1e: {  	v23 =	vperm.xlane v25, v2;
	_ =	sdelay $0x1  }
0x1f: {  	v27 =	vperm.xlane v25, v59;
	v26 =	vadd.s32 v7, v23  }
0x20: {  	v28 =	vadd.s32 v9, v23  }
0x21: {  	v30 =	vperm.xlane v25, v60;
	v29 =	vadd.s32 v7, v27  }
0x22: {  	v32 =	vld [tilespmem:s13+$0xFF0];
	v27 =	vadd.s32 v9, v27  }
0x23: {  	v33 =	vperm.xlane v25, v11;
	v23 =	vld [tilespmem:s13+$0x1000];
	v31 =	vadd.s32 v7, v30  }
0x24: {  	v30 =	vadd.s32 v9, v30;
	v26 =	vld.idx.msk [tilespmem:v26+s2+$0x0], $0xffff  }
0x25: {  	v35 =	vperm.xlane v25, v12;
	v49 =	vadd.s32 v7, v33;
	v34 =	vld.idx.msk [tilespmem:v28+s2+$0x0], $0xffff  }
0x26: {  	v33 =	vadd.s32 v9, v33;
	v29 =	vld.idx.msk [tilespmem:v29+s2+$0x0], $0xffff  }
0x27: {  	v37 =	vperm.xlane v25, v56;
	v36 =	vadd.s32 v7, v35;
	v27 =	vld.idx.msk [tilespmem:v27+s2+$0x0], $0xffff  }
0x28: {  	v50 =	vadd.s32 v9, v35;
	v38 =	vld.idx.msk [tilespmem:v31+s2+$0x0], $0xffff  }
0x29: {  	v39 =	vperm.xlane v25, v13;
	v51 =	vadd.s32 v7, v37;
	v30 =	vld.idx.msk [tilespmem:v30+s2+$0x0], $0xffff  }
0x2a: {  	v52 =	vadd.s32 v9, v37;
	v40 =	vld.idx.msk [tilespmem:v49+s2+$0x0], $0xffff  }
0x2b: {  	v41 =	vperm.xlane v25, v14;
	v53 =	vadd.s32 v7, v39;
	v33 =	vld.idx.msk [tilespmem:v33+s2+$0x0], $0xffff  }
0x2c: {  	v39 =	vadd.s32 v9, v39;
	v36 =	vld.idx.msk [tilespmem:v36+s2+$0x0], $0xffff  }
0x2d: {  	v43 =	vperm.xlane v25, v15;
	v54 =	vadd.s32 v7, v41;
	v42 =	vld.idx.msk [tilespmem:v50+s2+$0x0], $0xffff  }
0x2e: {  	v41 =	vadd.s32 v9, v41;
	v35 =	vld.idx.msk [tilespmem:v51+s2+$0x0], $0xffff  }
0x2f: {  	v45 =	vperm.xlane v25, v16;
	v55 =	vadd.s32 v7, v43;
	v44 =	vld.idx.msk [tilespmem:v52+s2+$0x0], $0xffff  }
0x30: {  	v43 =	vadd.s32 v9, v43;
	v37 =	vld.idx.msk [tilespmem:v53+s2+$0x0], $0xffff  }
0x31: {  	v47 =	vperm.xlane v25, v17;
	v46 =	vadd.s32 v7, v45;
	v39 =	vld.idx.msk [tilespmem:v39+s2+$0x0], $0xffff  }
0x32: {  	v56 =	vadd.s32 v9, v45;
	v48 =	vld.idx.msk [tilespmem:v54+s2+$0x0], $0xffff  }
0x33: {  	v57 =	vadd.s32 v7, v47;
	v41 =	vld.idx.msk [tilespmem:v41+s2+$0x0], $0xffff;
	v49 =	vperm.xlane v25, v18  }
0x34: {  	v58 =	vadd.s32 v9, v47;
	v50 =	vld.idx.msk [tilespmem:v55+s2+$0x0], $0xffff  }
0x35: {  	v43 =	vld.idx.msk [tilespmem:v43+s2+$0x0], $0xffff;
	v51 =	vperm.xlane v25, v19;
	v59 =	vadd.s32 v7, v49  }
0x36: {  	v46 =	vld.idx.msk [tilespmem:v46+s2+$0x0], $0xffff;
	v49 =	vadd.s32 v9, v49  }
0x37: {  	v52 =	vld.idx.msk [tilespmem:v56+s2+$0x0], $0xffff;
	v55 =	vperm.xlane v25, v21;
	v60 =	vadd.s32 v7, v51  }
0x38: {  	v53 =	vperm.xlane v25, v20;
	v45 =	vld.idx.msk [tilespmem:v57+s2+$0x0], $0xffff;
	v51 =	vadd.s32 v9, v51  }
0x39: {  	v54 =	vld.idx.msk [tilespmem:v58+s2+$0x0], $0xffff;
	v56 =	vadd.s32 v7, v55;
	v55 =	vadd.s32 v9, v55  }
0x3a: {  	v0 =	vimm.s32 $0x1;
	v1 =	vimm.s32 $0x2;
	v28 =	vadd.s32 v7, v53;
	v47 =	vld.idx.msk [tilespmem:v59+s2+$0x0], $0xffff  }
0x3b: {  	vm0 =	vne.s32 v24, $0x0;
	v25 =	vperm.xlane v25, v22;
	v58 =	vshll.u32 v32, $0x5;
	v49 =	vld.idx.msk [tilespmem:v49+s2+$0x0], $0xffff  }
0x3c: {  	v62 =	vperm.xlane v58, v0;
	v53 =	vadd.s32 v9, v53;
	v26 =	vadd.bf16 v8, v26;
	v57 =	vld.idx.msk [tilespmem:v60+s2+$0x0], $0xffff  }
0x3d: {  	v34 =	vadd.bf16 v8, v34;
	v51 =	vld.idx.msk [tilespmem:v51+s2+$0x0], $0xffff;
	v59 =	vadd.s32 v7, v25;
	v60 =	vperm.xlane v58, v2  }
0x3e: {  	vm13 =	vne.s32 v32, $0x0;
	v25 =	vadd.s32 v9, v25;
	v32 =	vld.idx.msk [tilespmem:v55+s2+$0x0], $0xffff;
	v55 =	vadd.s32 v7, v62  }
0x3f: {  	v61 =	vld.idx.msk [tilespmem:v28+s2+$0x0], $0xffff;
	v26 =	vadd.bf16 v29, v26;
	v27 =	vadd.bf16 v27, v34;
	v24 =	vadd.s32 v7, v60  }
0x40: {  	v31 =	vld.idx.msk [tilespmem:v56+s2+$0x0], $0xffff;
	v56 =	vadd.s32 v9, v60;
	v60 =	vperm.xlane v58, v1;
	v1 =	vperm.xlane v58, v11  }
0x41: {  	v63 =	vsel vm0, $0x1, v2;
	vm14 =	vne.s32 v23, $0x0;
	v53 =	vld.idx.msk [tilespmem:v53+s2+$0x0], $0xffff;
	v26 =	vadd.bf16 v38, v26  }
0x42: {  	v0 =	vsel vm13, $0x1, v2;
	v27 =	vadd.bf16 v30, v27;
	v34 =	vadd.s32 v7, v1;
	v28 =	vld.idx.msk [tilespmem:v59+s2+$0x0], $0xffff  }
0x43: {  	v0 =	vadd.s32 v63, v0;
	v26 =	vadd.bf16 v40, v26;
	v59 =	vadd.s32 v9, v62;
	v25 =	vld.idx.msk [tilespmem:v25+s2+$0x0], $0xffff  }
0x44: {  	v63 =	vsel vm14, $0x1, v2;
	v27 =	vadd.bf16 v33, v27;
	v62 =	vadd.s32 v7, v60;
	v38 =	vld.idx.msk [tilespmem:v55+s2+$0x0], $0xffff  }
0x45: {  	v6 =	vimm.s32 $0x5;
	v0 =	vadd.s32 v63, v0;
	v26 =	vadd.bf16 v36, v26;
	v29 =	vld.idx.msk [tilespmem:v24+s2+$0x0], $0xffff  }
0x46: {  	v27 =	vadd.bf16 v42, v27;
	v24 =	vadd.s32 v9, v60;
	v56 =	vld.idx.msk [tilespmem:v56+s2+$0x0], $0xffff;
	v60 =	vperm.xlane v58, v12  }
0x47: {  	v1 =	vadd.s32 v9, v1;
	v33 =	vperm.xlane v58, v13;
	v26 =	vadd.bf16 v35, v26;
	v63 =	vld.idx.msk [tilespmem:v34+s2+$0x0], $0xffff  }
0x48: {  	v27 =	vadd.bf16 v44, v27;
	v55 =	vadd.s32 v7, v60;
	v60 =	vadd.s32 v9, v60;
	v30 =	vld.idx.msk [tilespmem:v59+s2+$0x0], $0xffff  }
0x49: {  	v36 =	vadd.s32 v7, v33;
	v59 =	vperm.xlane v58, v6;
	v40 =	vld.idx.msk [tilespmem:v62+s2+$0x0], $0xffff  }
0x4a: {  	v33 =	vadd.s32 v9, v33;
	v6 =	vld [tilespmem:$0x1FFF0];
	v26 =	vadd.bf16 v37, v26;
	v27 =	vadd.bf16 v39, v27  }
0x4b: {  	v42 =	vperm.xlane v58, v14;
	v62 =	vld.idx.msk [tilespmem:v24+s2+$0x0], $0xffff;
	v24 =	vadd.s32 v7, v59  }
0x4c: {  	v1 =	vld.idx.msk [tilespmem:v1+s2+$0x0], $0xffff;
	v34 =	vadd.s32 v9, v59;
	v26 =	vadd.bf16 v48, v26;
	v27 =	vadd.bf16 v41, v27  }
0x4d: {  	v29 =	vadd.bf16 v8, v29;
	v44 =	vld.idx.msk [tilespmem:v60+s2+$0x0], $0xffff;
	v60 =	vperm.xlane v58, v15  }
0x4e: {  	v35 =	vadd.s32 v7, v42;
	v48 =	vld.idx.msk [tilespmem:v36+s2+$0x0], $0xffff;
	v26 =	vadd.bf16 v50, v26;
	v27 =	vadd.bf16 v43, v27  }
0x4f: {  	v41 =	vld.idx.msk [tilespmem:v33+s2+$0x0], $0xffff;
	v43 =	vperm.xlane v58, v18;
	v59 =	vperm.xlane v0, v6;
	v36 =	vadd.s32 v9, v60  }
0x50: {  	v27 =	vadd.bf16 v52, v27;
	v37 =	vld.idx.msk [tilespmem:v24+s2+$0x0], $0xffff;
	v24 =	vadd.s32 v9, v42;
	v42 =	vperm.xlane v58, v16  }
0x51: {  	v38 =	vadd.bf16 v38, v29;
	v0 =	vadd.s32 v59, v0;
	v39 =	vld.idx.msk [tilespmem:v34+s2+$0x0], $0xffff;
	v34 =	vadd.s32 v7, v60  }
0x52: {  	v55 =	vld.idx.msk [tilespmem:v55+s2+$0x0], $0xffff;
	v27 =	vadd.bf16 v54, v27;
	v54 =	vperm.xlane v58, v20;
	v33 =	vadd.s32 v7, v42  }
0x53: {  	v50 =	vld.idx.msk [tilespmem:v35+s2+$0x0], $0xffff;
	v26 =	vadd.bf16 v46, v26;
	v59 =	vperm.xlane v0, v3;
	v35 =	vadd.s32 v9, v42  }
0x54: {  	v60 =	vperm.xlane v58, v17;
	v27 =	vadd.bf16 v49, v27;
	v49 =	vadd.s32 v7, v54;
	v52 =	vld.idx.msk [tilespmem:v36+s2+$0x0], $0xffff  }
0x55: {  	v5 =	vmovc v3;
	v6 =	vmov v4;
	v0 =	vadd.s32 v59, v0;
	v54 =	vadd.s32 v9, v54;
	v42 =	vld.idx.msk [tilespmem:v24+s2+$0x0], $0xffff  }
0x56: {  	v26 =	vadd.bf16 v45, v26;
	v59 =	vperm.xlane v0, v4;
	v24 =	vadd.s32 v7, v60;
	v46 =	vld.idx.msk [tilespmem:v34+s2+$0x0], $0xffff  }
0x57: {  	v36 =	vperm.xlane v58, v19;
	v4 =	vperm.xlane v58, v21;
	v34 =	vadd.s32 v9, v60;
	v45 =	vld.idx.msk [tilespmem:v33+s2+$0x0], $0xffff  }
0x58: {  	v60 =	vadd.s32 v7, v43;
	v27 =	vadd.bf16 v51, v27;
	v33 =	vadd.s32 v9, v43;
	v43 =	vld.idx.msk [tilespmem:v35+s2+$0x0], $0xffff  }
0x59: {  	v26 =	vadd.bf16 v47, v26;
	v0 =	vadd.s32 v59, v0;
	v3 =	vadd.s32 v9, v36;
	v29 =	vld.idx.msk [tilespmem:v49+s2+$0x0], $0xffff  }
0x5a: {  	v51 =	vadd.s32 v7, v4;
	v59 =	vperm.xlane v0, v10;
	v53 =	vadd.bf16 v53, v27;
	v27 =	vld.idx.msk [tilespmem:v54+s2+$0x0], $0xffff  }
0x5b: {  	v56 =	vadd.bf16 v8, v56;
	v35 =	vadd.s32 v7, v36;
	v47 =	vld.idx.msk [tilespmem:v24+s2+$0x0], $0xffff  }
0x5c: {  	v36 =	vld.idx.msk [tilespmem:v34+s2+$0x0], $0xffff;
	v24 =	vadd.s32 v59, v0;
	v0 =	vadd.bf16 v57, v26;
	v57 =	vperm.xlane v58, v22  }
0x5d: {  	v56 =	vadd.bf16 v30, v56;
	v4 =	vadd.s32 v9, v4;
	v34 =	vld.idx.msk [tilespmem:v60+s2+$0x0], $0xffff;
	v58 =	vshll.u32 v23, $0x5  }
0x5e: {  	v23 =	vld.idx.msk [tilespmem:v3+s2+$0x0], $0xffff;
	v0 =	vadd.bf16 v61, v0;
	v3 =	vadd.s32 v7, v57;
	v61 =	vperm.xlane v58, v2  }
0x5f: {  	v38 =	vadd.bf16 v40, v38;
	v59 =	vimm.s32 $0x1;
	v30 =	vld.idx.msk [tilespmem:v51+s2+$0x0], $0xffff;
	v49 =	vadd.s32 v9, v57  }
0x60: {  	v56 =	vadd.bf16 v62, v56;
	v33 =	vld.idx.msk [tilespmem:v33+s2+$0x0], $0xffff;
	v57 =	vperm.xlane v58, v59;
	v54 =	vadd.s32 v7, v61  }
0x61: {  	v38 =	vadd.bf16 v63, v38;
	v60 =	vimm.s32 $0x2;
	v26 =	vld.idx.msk [tilespmem:v35+s2+$0x0], $0xffff;
	v40 =	vadd.s32 v9, v61  }
0x62: {  	v0 =	vadd.bf16 v31, v0;
	v31 =	vld.idx.msk [tilespmem:v4+s2+$0x0], $0xffff;
	v4 =	vadd.s32 v7, v57;
	v61 =	vperm.xlane v58, v60  }
0x63: {  	v1 =	vadd.bf16 v1, v56;
	v56 =	vimm.s32 $0x5;
	v35 =	vld.idx.msk [tilespmem:v3+s2+$0x0], $0xffff;
	v3 =	vadd.s32 v9, v57  }
0x64: {  	v53 =	vadd.bf16 v32, v53;
	v63 =	vperm.xlane v58, v11;
	v32 =	vld.idx.msk [tilespmem:v49+s2+$0x0], $0xffff;
	v49 =	vadd.s32 v7, v61  }
0x65: {  	v38 =	vadd.bf16 v55, v38;
	v1 =	vadd.bf16 v44, v1;
	v51 =	vadd.s32 v9, v61;
	v54 =	vld.idx.msk [tilespmem:v54+s2+$0x0], $0xffff  }
0x66: {  	v28 =	vadd.bf16 v28, v0;
	v61 =	vperm.xlane v58, v12;
	v0 =	vld.idx.msk [tilespmem:v40+s2+$0x0], $0xffff;
	v40 =	vadd.s32 v7, v63  }
0x67: {  	v37 =	vadd.bf16 v37, v38;
	v1 =	vadd.bf16 v39, v1;
	v38 =	vadd.s32 v9, v63;
	v4 =	vld.idx.msk [tilespmem:v4+s2+$0x0], $0xffff  }
0x68: {  	v62 =	vperm.xlane v58, v56;
	v44 =	vadd.s32 v7, v61;
	v3 =	vld.idx.msk [tilespmem:v3+s2+$0x0], $0xffff  }
0x69: {  	v37 =	vadd.bf16 v48, v37;
	v1 =	vadd.bf16 v41, v1;
	v48 =	vadd.s32 v9, v61;
	v39 =	vld.idx.msk [tilespmem:v49+s2+$0x0], $0xffff  }
0x6a: {  	v57 =	vperm.xlane v58, v13;
	v51 =	vld.idx.msk [tilespmem:v51+s2+$0x0], $0xffff;
	v63 =	vadd.bf16 v8, v54;
	v54 =	vadd.s32 v7, v62  }
0x6b: {  	v37 =	vadd.bf16 v50, v37;
	v61 =	vadd.s32 v9, v62;
	v0 =	vadd.bf16 v8, v0;
	v40 =	vld.idx.msk [tilespmem:v40+s2+$0x0], $0xffff  }
0x6c: {  	v38 =	vld.idx.msk [tilespmem:v38+s2+$0x0], $0xffff;
	v49 =	vadd.s32 v7, v57;
	v62 =	vperm.xlane v58, v14;
	v4 =	vadd.bf16 v4, v63  }
0x6d: {  	v1 =	vadd.bf16 v42, v1;
	v0 =	vadd.bf16 v3, v0;
	v3 =	vld.idx.msk [tilespmem:v44+s2+$0x0], $0xffff;
	v44 =	vadd.s32 v9, v57  }
0x6e: {  	v63 =	vperm.xlane v58, v15;
	v4 =	vadd.bf16 v39, v4;
	v39 =	vld.idx.msk [tilespmem:v48+s2+$0x0], $0xffff;
	v48 =	vadd.s32 v7, v62  }
0x6f: {  	v25 =	vadd.bf16 v25, v53;
	v57 =	vadd.s32 v9, v62;
	v0 =	vadd.bf16 v51, v0;
	v42 =	vld.idx.msk [tilespmem:v54+s2+$0x0], $0xffff  }
0x70: {  	v62 =	vperm.xlane v58, v16;
	v4 =	vadd.bf16 v40, v4;
	v40 =	vld.idx.msk [tilespmem:v61+s2+$0x0], $0xffff;
	v61 =	vadd.s32 v7, v63  }
0x71: {  	v37 =	vadd.bf16 v46, v37;
	v46 =	vadd.s32 v9, v63;
	v0 =	vadd.bf16 v38, v0;
	v38 =	vld.idx.msk [tilespmem:v49+s2+$0x0], $0xffff  }
0x72: {  	v63 =	vperm.xlane v58, v17;
	v3 =	vadd.bf16 v3, v4;
	v4 =	vld.idx.msk [tilespmem:v44+s2+$0x0], $0xffff;
	v44 =	vadd.s32 v7, v62  }
0x73: {  	v1 =	vadd.bf16 v52, v1;
	v54 =	vadd.s32 v9, v62;
	v0 =	vadd.bf16 v39, v0;
	v39 =	vld.idx.msk [tilespmem:v48+s2+$0x0], $0xffff  }
0x74: {  	v55 =	vadd.s32 v7, v63;
	v3 =	vadd.bf16 v42, v3;
	v42 =	vld.idx.msk [tilespmem:v57+s2+$0x0], $0xffff;
	v57 =	vperm.xlane v58, v18  }
0x75: {  	v37 =	vadd.bf16 v45, v37;
	v62 =	vadd.s32 v9, v63;
	v0 =	vadd.bf16 v40, v0;
	v61 =	vld.idx.msk [tilespmem:v61+s2+$0x0], $0xffff  }
0x76: {  	v63 =	vperm.xlane v58, v19;
	v3 =	vadd.bf16 v38, v3;
	v38 =	vld.idx.msk [tilespmem:v46+s2+$0x0], $0xffff;
	v45 =	vadd.s32 v7, v57  }
0x77: {  	v1 =	vadd.bf16 v43, v1;
	v43 =	vadd.s32 v9, v57;
	v0 =	vadd.bf16 v4, v0;
	v4 =	vld.idx.msk [tilespmem:v44+s2+$0x0], $0xffff  }
0x78: {  	v53 =	vadd.s32 v7, v63;
	v52 =	vld.idx.msk [tilespmem:v54+s2+$0x0], $0xffff;
	v54 =	vperm.xlane v58, v20;
	v3 =	vadd.bf16 v39, v3  }
0x79: {  	v50 =	vperm.xlane v58, v22;
	v46 =	vadd.s32 v9, v63;
	v55 =	vld.idx.msk [tilespmem:v55+s2+$0x0], $0xffff;
	v0 =	vadd.bf16 v42, v0  }
0x7a: {  	v57 =	vld.idx.msk [tilespmem:v62+s2+$0x0], $0xffff;
	v62 =	vperm.xlane v58, v21;
	v3 =	vadd.bf16 v61, v3;
	v61 =	vadd.s32 v7, v54  }
0x7b: {  	vm15 =	vgt.s32 v24, $0x1;
	v48 =	vadd.s32 v9, v54;
	v0 =	vadd.bf16 v38, v0;
	v63 =	vld.idx.msk [tilespmem:v45+s2+$0x0], $0xffff  }
0x7c: {  	v37 =	vadd.bf16 v47, v37;
	v49 =	vadd.s32 v7, v62;
	v3 =	vadd.bf16 v4, v3;
	v4 =	vld.idx.msk [tilespmem:v43+s2+$0x0], $0xffff  }
0x7d: {  	v1 =	vadd.bf16 v36, v1;
	v51 =	vld.idx.msk [tilespmem:v53+s2+$0x0], $0xffff;
	v0 =	vadd.bf16 v52, v0;
	v52 =	vadd.s32 v9, v62  }
0x7e: {  	v34 =	vadd.bf16 v34, v37;
	v54 =	vadd.s32 v7, v50;
	v53 =	vld.idx.msk [tilespmem:v46+s2+$0x0], $0xffff;
	v3 =	vadd.bf16 v55, v3  }
0x7f: {  	v24 =	vnsel vm15, $0x1, v24;
	v1 =	vadd.bf16 v33, v1;
	v0 =	vadd.bf16 v57, v0;
	v55 =	vld.idx.msk [tilespmem:v61+s2+$0x0], $0xffff  }
0x80: {  	v26 =	vadd.bf16 v26, v34;
	v58 =	vld.idx.msk [tilespmem:v48+s2+$0x0], $0xffff;
	v57 =	vadd.s32 v9, v50;
	v3 =	vadd.bf16 v63, v3  }
0x81: {  	v1 =	vadd.bf16 v23, v1;
	v23 =	vld.idx.msk [tilespmem:v49+s2+$0x0], $0xffff;
	v0 =	vadd.bf16 v4, v0;
	v4 =	vcvt.s32.f32 v24  }
0x82: {  	v61 =	vadd.bf16 v29, v26;
	v3 =	vadd.bf16 v51, v3;
	v62 =	vld.idx.msk [tilespmem:v52+s2+$0x0], $0xffff  }
0x83: {  	v1 =	vadd.bf16 v27, v1;
	(erf) = vrcp.f32 v4;
	v0 =	vadd.bf16 v53, v0;
	v4 =	vld.idx.msk [tilespmem:v54+s2+$0x0], $0xffff  }
0x84: {  	v24 =	vadd.bf16 v30, v61;
	v3 =	vadd.bf16 v55, v3  }
0x85: {  	v1 =	vadd.bf16 v31, v1;
	v63 =	vld.idx.msk [tilespmem:v57+s2+$0x0], $0xffff;
	v0 =	vadd.bf16 v58, v0  }
0x86: {  	v24 =	vadd.bf16 v35, v24;
	v3 =	vadd.bf16 v23, v3  }
0x87: {  	v1 =	vadd.bf16 v32, v1;
	v0 =	vadd.bf16 v62, v0  }
0x88: {  	v3 =	vadd.bf16 v4, v3;
	v4 =	vadd.bf16 v24, v28  }
0x89: {  	v1 =	vadd.bf16 v1, v25  }
0x8a: {  	v0 =	vadd.bf16 v63, v0;
	v3 =	vadd.bf16 v3, v4;
	_ =	sdelay $0x1  }
0x8b: {  	v0 =	vadd.bf16 v0, v1;
	v4 =	vpop (erf);
	v23 =	vshll.u32 v3, $0x10  }
0x8c: {  	v1 =	vand.u32 $0xFFFF0000, v3;
	v3 =	vmul.f32 v23, v4  }
0x8d: {  	p0 =	sne.s32 s11, $0x17FC0;
	v23 =	vshll.u32 v0, $0x10  }
.Ltmp0:
0x8e: {  	v1 =	vmul.f32 v1, v4;
	v0 =	vand.u32 $0xFFFF0000, v0;
	[tilespmem:s12+$0xFFFFFFE0] =	vst v3;
	v3 =	vmul.f32 v23, v4;
	(pc) =	sbr.rel @p0 .LBB2_2-.Ltmp0, $4  }
0x8f: {  	v0 =	vmul.f32 v0, v4  }
0x90: {  	[tilespmem:s12+$0xFFFFFFF0] =	vst v1  }
0x91: {  	[tilespmem:s12+$0x10] =	vst v0  }
0x92: {  	s11 =	sadd.s32 $0xC0, s11;
	v4 =	vmov v6;
	[tilespmem:s12+$0x0] =	vst v3;
	s12 =	sadd.s32 $0x40, s12;
	v3 =	vmov v5  }
0x93: {  	s10 =	sadd.s32 $0x1, s10  }
0x94: {  	p0 =	sne.s32 s10, s6  }
.Ltmp1:
0x95: {  	_ = 	snop;
	(pc) =	sbr.rel @p0 .LBB2_1-.Ltmp1, $4  }
0x96: {  	[hbm4b:s5+s2] =	stream.linear.scatter [tilespmem:s9], [sflag:$0x1], $0x8000, $0x38;
	[tilespmem:$0xF000] =	vst v63  }
0x97: {  	_ =	swait.ge [sflag:s7], $0x8000  }
0x98: {  	[sflag:s7] =	ssyncset.done $0x0  }
0x99: {  	[sflag:s7] =	ssyncadd.s32 $0xFFFF8000  }
0x9a: {  	_ =	sfence.sel $0x180000  }
0x9b: {  	[bflag:$0x0] =	sbarrier.arrive $0xFFFF  }
0x9c: {  	p0 =	sne.s32 s0, $0x0;
	_ =	strace $0x90000047  }
0x9d: {  	s0 =	sadd.s32 @!p0 $0x100000, s1;
	[bflag:$0x2] =	sbarrier.arrive $0xFFFF  }
0x9e: {  	[sflag:s0] =	ssyncadd.tile.s32 @!p0 $0x1;
	_ =	shalt  }
.Lfunc_end2:
_tile_overlayer_lowered:
.L_overlay_start_2:
0x9f: {  	(tag) =	ssettag $0x2  }
0xa0: {  	s0 =	rddreg [dreg:$0x0];
	s2 =	stileid.u32  }
0xa1: {  	s1 =	rddreg [dreg:$0x1];
	p0 =	sne.s32 s2, $0x0  }
0xa2: {  	s3 =	rddreg [dreg:$0x2];
	[bflag:$0x3] =	sbarrier.arrive $0xFFFF;
	s2 =	simm.s32 @!p0 $0x1C01  }
0xa3: {  	[timem:s3], [sflag:s2] =	dma.local @!p0 [hbm:s0], s1  }
0xa4: {  	s0 =	simm.s32 @!p0 $0x1  }
0xa5: {  	_ =	swait.ge @!p0 [sflag:s0], s1  }
0xa6: {  	s1 =	ssub.s32 @!p0 $0x0, s1;
	[sflag:s0] =	ssyncset.done @!p0 $0x0  }
0xa7: {  	[sflag:s0] =	ssyncadd.s32 @!p0 s1  }
0xa8: {  	[bflag:$0x3] =	sbarrier.arrive $0xFFFF  }
0xa9: {  	_ =	shalt  }

</sc_bundles>
